<compile_context>
chip_gen: v7x
topology: tpu7x:2x2x1
jax: 0.10.2.dev20260603
libtpu: 0.0.44.dev20260713+nightly
codegen_flags: <defaults>
</compile_context>

<pallas_src>
import functools

import numpy as np
import jax
import jax.numpy as jnp
from jax import lax
from jax.experimental import pallas as pl
from jax.experimental.pallas import tpu as pltpu
from jax.experimental.pallas import tpu_sc as plsc

_B = 1024
_L = 200
_VOCAB = 100000
_D = 64
_MASK_ID = _VOCAB
_GAMMA = 0.7
_TAO = 0.2

_KA = 96
_KB = 48
_CHUNK = 128
_NCORES = 2
_NSUB = 16
_NTILES = _NCORES * _NSUB
_SPT = _B // _NTILES
_ACC_ROWS = _NSUB * _SPT + 8
_TRASH = _NSUB * _SPT

_consts = {}


def _tf_round(x0, x1, r):
    x0 = (x0 + x1) & np.uint64(0xFFFFFFFF)
    x1 = ((x1 << np.uint64(r)) | (x1 >> np.uint64(32 - r))) & np.uint64(0xFFFFFFFF)
    x1 = x0 ^ x1
    return x0, x1


def _threefry2x32(k1, k2, x0, x1):
    rot0 = (13, 15, 26, 6)
    rot1 = (17, 29, 16, 24)
    M = np.uint64(0xFFFFFFFF)
    ks0, ks1 = np.uint64(k1), np.uint64(k2)
    ks2 = ks0 ^ ks1 ^ np.uint64(0x1BD11BDA)
    x0 = (x0 + ks0) & M
    x1 = (x1 + ks1) & M
    for r in rot0:
        x0, x1 = _tf_round(x0, x1, r)
    x0 = (x0 + ks1) & M
    x1 = (x1 + ks2 + np.uint64(1)) & M
    for r in rot1:
        x0, x1 = _tf_round(x0, x1, r)
    x0 = (x0 + ks2) & M
    x1 = (x1 + ks0 + np.uint64(2)) & M
    for r in rot0:
        x0, x1 = _tf_round(x0, x1, r)
    x0 = (x0 + ks0) & M
    x1 = (x1 + ks1 + np.uint64(3)) & M
    for r in rot1:
        x0, x1 = _tf_round(x0, x1, r)
    x0 = (x0 + ks1) & M
    x1 = (x1 + ks2 + np.uint64(4)) & M
    for r in rot0:
        x0, x1 = _tf_round(x0, x1, r)
    x0 = (x0 + ks2) & M
    x1 = (x1 + ks0 + np.uint64(5)) & M
    return x0, x1


def _np_uniform(k1, k2, shape):
    n = int(np.prod(shape))
    b1, b2 = _threefry2x32(k1, k2, np.zeros(n, np.uint64),
                           np.arange(n, dtype=np.uint64))
    bits = (b1 ^ b2).astype(np.uint32)
    fb = (bits >> np.uint32(9)) | np.uint32(0x3F800000)
    return (fb.view(np.float32) - np.float32(1.0)).reshape(shape)


def _aug_consts():
    if "P" not in _consts:
        b1, b2 = _threefry2x32(np.uint64(0), np.uint64(42),
                               np.zeros(2, np.uint64),
                               np.arange(2, dtype=np.uint64))
        bern = _np_uniform(b1[0], b2[0], (_B, _L)) < np.float32(_GAMMA)
        u = _np_uniform(b1[1], b2[1], (_B,))
        keep = ~bern
        cumkeep = np.cumsum(keep, axis=1).astype(np.int32)
        P = np.zeros((_B, _KA), np.int32)
        for b in range(_B):
            pos = np.nonzero(keep[b])[0]
            P[b, : len(pos)] = pos
        local = (np.arange(_B, dtype=np.int32) % _SPT)[:, None]
        PA = (P + _L * local).reshape(_NTILES, _NCHA, _CHUNK)
        _consts["PA"] = jnp.asarray(PA)
        _consts["ckflat"] = jnp.asarray(cumkeep.reshape(-1))
        _consts["u"] = jnp.asarray(u.astype(np.float32))
    return _consts["PA"], _consts["ckflat"], _consts["u"]


_NCHA = _SPT * _KA // _CHUNK
_NCHB = _SPT * _KB // _CHUNK
_SCH = 4


def _sc_bag_body(seq_hbm, ck_hbm, pa_hbm, len_hbm, start_hbm, sublen_hbm,
                 emb_hbm,
                 sumA_hbm, sumB_hbm, nkeep_hbm,
                 seq_v, ck_v, pa_v, len_v, start_v, sublen_v, nk_v,
                 idsA_v, segA_v, idsB_v, segB_v,
                 rows0, rows1, accA, accB, sem0, sem1, sem2, sem3):
    c = lax.axis_index("c")
    s = lax.axis_index("s")
    g = c * _NSUB + s
    base = g * _SPT

    zv = jnp.zeros((16,), jnp.float32)

    def zero_row(i, carry):
        for k in range(_D // 16):
            rows0[i, pl.ds(k * 16, 16)] = zv
        return carry

    lax.fori_loop(0, _SPT, zero_row, 0)
    pltpu.sync_copy(rows0.at[pl.ds(0, _SPT)], accA.at[pl.ds(s * _SPT, _SPT)])
    pltpu.sync_copy(rows0.at[pl.ds(0, _SPT)], accB.at[pl.ds(s * _SPT, _SPT)])

    @pl.when(s == 0)
    def _():
        pltpu.sync_copy(rows0.at[pl.ds(0, 8)],
                        accA.at[pl.ds(_NSUB * _SPT, 8)])
        pltpu.sync_copy(rows0.at[pl.ds(0, 8)],
                        accB.at[pl.ds(_NSUB * _SPT, 8)])

    plsc.subcore_barrier()

    pltpu.sync_copy(seq_hbm.at[pl.ds(base * _L, _SPT * _L)], seq_v)
    pltpu.sync_copy(ck_hbm.at[pl.ds(base * _L, _SPT * _L)], ck_v)
    pltpu.sync_copy(pa_hbm.at[g], pa_v)
    pltpu.sync_copy(len_hbm.at[pl.ds(base, _SPT)], len_v)
    pltpu.sync_copy(start_hbm.at[pl.ds(base, _SPT)], start_v)
    pltpu.sync_copy(sublen_hbm.at[pl.ds(base, _SPT)], sublen_v)

    iota = lax.iota(jnp.int32, 16)

    for h in range(_SPT // 16):
        bv = h * 16 + iota
        lenv = len_v[pl.ds(h * 16, 16)]
        nk = plsc.load_gather(ck_v, [bv * _L + lenv - 1])
        nk_v[pl.ds(h * 16, 16)] = nk
    pltpu.sync_copy(nk_v, nkeep_hbm.at[pl.ds(base, _SPT)])

    def build_a(j, carry):
        for s16 in range(_CHUNK // 16):
            lvec = j * _CHUNK + s16 * 16 + iota
            bvec = lvec // _KA
            kvec = lvec - bvec * _KA
            pav = pa_v[j, pl.ds(s16 * 16, 16)]
            ids = plsc.load_gather(seq_v, [pav])
            nkb = plsc.load_gather(nk_v, [bvec])
            seg = jnp.where(kvec < nkb, s * _SPT + bvec, _TRASH)
            idsA_v[pl.ds(j * _CHUNK + s16 * 16, 16)] = ids
            segA_v[pl.ds(j * _CHUNK + s16 * 16, 16)] = seg
        return carry

    lax.fori_loop(0, _NCHA, build_a, 0)

    def build_b(j, carry):
        for s16 in range(_CHUNK // 16):
            lvec = j * _CHUNK + s16 * 16 + iota
            bvec = lvec // _KB
            kvec = lvec - bvec * _KB
            st = plsc.load_gather(start_v, [bvec])
            sl = plsc.load_gather(sublen_v, [bvec])
            pos = jnp.minimum(st + kvec, _L - 1)
            ids = plsc.load_gather(seq_v, [bvec * _L + pos])
            seg = jnp.where(kvec < sl, s * _SPT + bvec, _TRASH)
            idsB_v[pl.ds(j * _CHUNK + s16 * 16, 16)] = ids
            segB_v[pl.ds(j * _CHUNK + s16 * 16, 16)] = seg
        return carry

    lax.fori_loop(0, _NCHB, build_b, 0)

    plan = ([(idsA_v, segA_v, accA, j) for j in range(_NCHA // _SCH)]
            + [(idsB_v, segB_v, accB, j) for j in range(_NCHB // _SCH)])
    n = len(plan)
    bufs = (rows0, rows1)
    gsems = (sem0, sem1)
    ssems = (sem2, sem3)
    ghandles = [None, None]
    shandles = [None, None]

    w = _SCH * _CHUNK
    ids0, _, _, j0 = plan[0]
    ghandles[0] = pltpu.async_copy(
        emb_hbm.at[ids0.at[pl.ds(j0 * w, w)]], bufs[0], gsems[0])
    for k in range(n):
        if k + 1 < n:
            if shandles[(k + 1) % 2] is not None:
                shandles[(k + 1) % 2].wait()
                shandles[(k + 1) % 2] = None
            ids1, _, _, j1 = plan[k + 1]
            ghandles[(k + 1) % 2] = pltpu.async_copy(
                emb_hbm.at[ids1.at[pl.ds(j1 * w, w)]],
                bufs[(k + 1) % 2], gsems[(k + 1) % 2])
        ghandles[k % 2].wait()
        _, seg, acc, j = plan[k]
        shandles[k % 2] = pltpu.async_copy(
            bufs[k % 2], acc.at[seg.at[pl.ds(j * w, w)]],
            ssems[k % 2], add=True)
    for h in shandles:
        if h is not None:
            h.wait()

    plsc.subcore_barrier()

    pltpu.sync_copy(accA.at[pl.ds(s * _SPT, _SPT)], rows0.at[pl.ds(0, _SPT)])
    pltpu.sync_copy(accB.at[pl.ds(s * _SPT, _SPT)], rows1.at[pl.ds(0, _SPT)])
    pltpu.sync_copy(rows0.at[pl.ds(0, _SPT)], sumA_hbm.at[pl.ds(base, _SPT)])
    pltpu.sync_copy(rows1.at[pl.ds(0, _SPT)], sumB_hbm.at[pl.ds(base, _SPT)])


def _get_sc_bag():
    if "sc_bag" not in _consts:
        _consts["sc_bag"] = functools.partial(
            pl.kernel,
            out_type=[
                jax.ShapeDtypeStruct((_B, _D), jnp.float32),
                jax.ShapeDtypeStruct((_B, _D), jnp.float32),
                jax.ShapeDtypeStruct((_B,), jnp.int32),
            ],
            mesh=plsc.VectorSubcoreMesh(core_axis_name="c", subcore_axis_name="s"),
            compiler_params=pltpu.CompilerParams(
                use_tc_tiling_on_sc=False, needs_layout_passes=False),
            scratch_types=[
                pltpu.VMEM((_SPT * _L,), jnp.int32),
                pltpu.VMEM((_SPT * _L,), jnp.int32),
                pltpu.VMEM((_NCHA, _CHUNK), jnp.int32),
                pltpu.VMEM((_SPT,), jnp.int32),
                pltpu.VMEM((_SPT,), jnp.int32),
                pltpu.VMEM((_SPT,), jnp.int32),
                pltpu.VMEM((_SPT,), jnp.int32),
                pltpu.VMEM((_NCHA * _CHUNK,), jnp.int32),
                pltpu.VMEM((_NCHA * _CHUNK,), jnp.int32),
                pltpu.VMEM((_NCHB * _CHUNK,), jnp.int32),
                pltpu.VMEM((_NCHB * _CHUNK,), jnp.int32),
                pltpu.VMEM((_SCH * _CHUNK, _D), jnp.float32),
                pltpu.VMEM((_SCH * _CHUNK, _D), jnp.float32),
                pltpu.VMEM_SHARED((_ACC_ROWS, _D), jnp.float32),
                pltpu.VMEM_SHARED((_ACC_ROWS, _D), jnp.float32),
                pltpu.SemaphoreType.DMA,
                pltpu.SemaphoreType.DMA,
                pltpu.SemaphoreType.DMA,
                pltpu.SemaphoreType.DMA,
            ],
        )(_sc_bag_body)
    return _consts["sc_bag"]


def _tc_loss_body(sumA_ref, sumB_ref, nmask_ref, len_ref, sublen_ref,
                  maskrow_ref, out_ref):
    ri = (sumA_ref[...] + nmask_ref[...] * maskrow_ref[...]) / len_ref[...]
    rj = sumB_ref[...] / sublen_ref[...]
    dn = (((1,), (1,)), ((), ()))
    gij = lax.dot_general(ri, rj, dn, preferred_element_type=jnp.float32,
                          precision=lax.Precision.HIGHEST)
    gii = lax.dot_general(ri, ri, dn, preferred_element_type=jnp.float32,
                          precision=lax.Precision.HIGHEST)
    row = lax.broadcasted_iota(jnp.int32, (_B, _B), 0)
    col = lax.broadcasted_iota(jnp.int32, (_B, _B), 1)
    eye = row == col
    gii = jnp.where(eye, jnp.float32(-1e30), gii)
    m = jnp.maximum(jnp.max(gij, axis=1, keepdims=True),
                    jnp.max(gii, axis=1, keepdims=True))
    se = (jnp.sum(jnp.exp(gij - m), axis=1, keepdims=True)
          + jnp.sum(jnp.exp(gii - m), axis=1, keepdims=True))
    lse = m + jnp.log(se)
    diag = jnp.sum(jnp.where(eye, gij, 0.0), axis=1, keepdims=True)
    out_ref[...] = jnp.reshape(jnp.sum(lse - diag) / _B, (1, 1))


def _tc_loss(sumA, sumB, nmask, lens, sublens, maskrow):
    out = pl.pallas_call(
        _tc_loss_body,
        out_shape=jax.ShapeDtypeStruct((1, 1), jnp.float32),
    )(sumA, sumB, nmask, lens, sublens, maskrow)
    return out[0, 0]


def kernel(sequences, seq_lens, emb):
    PA, ckflat, u = _aug_consts()
    seq_lens = seq_lens.astype(jnp.int32)
    lens_f = seq_lens.astype(jnp.float32)
    sub_len = jnp.maximum(1, (_TAO * lens_f).astype(jnp.int32))
    start = (u * (seq_lens - sub_len + 1).astype(jnp.float32)).astype(jnp.int32)

    sumA, sumB, n_keep = _get_sc_bag()(
        sequences.reshape(-1), ckflat, PA, seq_lens, start, sub_len, emb)

    n_mask = (seq_lens - n_keep).astype(jnp.float32)
    maskrow = lax.slice(emb, (_MASK_ID, 0), (_MASK_ID + 1, _D))
    loss = _tc_loss(sumA, sumB,
                    n_mask[:, None],
                    lens_f[:, None],
                    sub_len.astype(jnp.float32)[:, None],
                    maskrow)
    return loss

# --- scband reference (transcript-rebuilt; emitter-appended) ---
"""Pipeline reference for scband-co-se-rec-augmentation-16801912062164 (READ-ONLY COPY).

The authoritative reference and input builder live on the scoring server;
editing this copy changes nothing except your own understanding.
"""

import jax, jax.numpy as jnp
import numpy as np

B = 1024
L = 200
VOCAB = 100000
D = 64
MASK_ID = VOCAB
GAMMA = 0.7
TAO = 0.2
TEMP = 1.0


def setup_inputs(seed: int = 0):
    key = jax.random.key(seed)
    k1, k2, k3 = jax.random.split(key, 3)
    sequences = jax.random.randint(k1, (B, L), 0, VOCAB, dtype=jnp.int32)
    seq_lens = jax.random.randint(k2, (B,), 1, L + 1, dtype=jnp.int32)
    emb = jax.random.normal(k3, (VOCAB + 1, D), dtype=jnp.float32) * 0.02
    return {"sequences": sequences, "seq_lens": seq_lens, "emb": emb}


def _augment(sequences, seq_lens):
    # Two CoSeRec augmented views of the ragged batch: Item_Mask and Item_Crop.
    Bn, Ln = sequences.shape
    pos = jnp.arange(Ln)[None, :]
    valid = pos < seq_lens[:, None]
    key = jax.random.key(42)
    km, kc = jax.random.split(key)
    # Item_Mask: replace valid positions with mask_id w.p. gamma
    bern = jax.random.uniform(km, (Bn, Ln)) < GAMMA
    masked = jnp.where(bern & valid, MASK_ID, sequences)
    masked = jnp.where(valid, masked, 0)
    # Item_Crop: sub_len = max(1, int(tao*seq_len)); random start in [0, seq_len-sub_len]
    sub_len = jnp.maximum(1, (TAO * seq_lens.astype(jnp.float32)).astype(jnp.int32))
    u = jax.random.uniform(kc, (Bn,))
    start = (u * (seq_lens - sub_len + 1).astype(jnp.float32)).astype(jnp.int32)
    gidx = jnp.clip(start[:, None] + pos, 0, Ln - 1)
    cropped = jnp.take_along_axis(sequences, gidx, axis=1)
    crop_valid = pos < sub_len[:, None]
    cropped = jnp.where(crop_valid, cropped, 0)
    return masked, valid, cropped, crop_valid


def _pool(emb, seq, valid):
    e = jnp.take(emb, seq, axis=0)  # [B, L, D] gather over the item table
    m = valid[..., None].astype(e.dtype)
    return (e * m).sum(axis=1) / jnp.maximum(m.sum(axis=1), 1.0)


def _info_nce(ri, rj):
    # InfoNCELoss(neg_type='batch_both', sim_method='inner_product')
    b = ri.shape[0]
    sim_ii = jnp.matmul(ri, ri.T) / TEMP
    sim_ij = jnp.matmul(ri, rj.T) / TEMP
    eye = jnp.eye(b, dtype=bool)
    sim_ii = jnp.where(eye, -jnp.inf, sim_ii)
    logits = jnp.concatenate([sim_ij, sim_ii], axis=-1)
    logp = jax.nn.log_softmax(logits, axis=-1)
    return -logp[jnp.arange(b), jnp.arange(b)].mean()


def reference(sequences, seq_lens, emb):
    masked, mvalid, cropped, cvalid = _augment(sequences, seq_lens)
    rep_i = _pool(emb, masked, mvalid)
    rep_j = _pool(emb, cropped, cvalid)
    loss = _info_nce(rep_i, rep_j)
    return loss

if __name__ == "__main__":
    import jax
    _d = setup_inputs()
    print(jax.jit(kernel)(*tuple(_d.values())))

</pallas_src>

<mosaic_0001>
#map = affine_map<(d0, d1) -> (0)>
#map1 = affine_map<(d0, d1) -> (0, 0, 0)>
#map2 = affine_map<(d0, d1) -> (0, 0)>
module attributes {stable_mosaic.version = 14 : i64} {
  func.func @_sc_bag_body(%arg0: i32, %arg1: i32, %arg2: memref<204800xi32, #tpu.memory_space<hbm>>, %arg3: memref<204800xi32, #tpu.memory_space<hbm>>, %arg4: memref<32x24x128xi32, #tpu.memory_space<hbm>>, %arg5: memref<1024xi32, #tpu.memory_space<hbm>>, %arg6: memref<1024xi32, #tpu.memory_space<hbm>>, %arg7: memref<1024xi32, #tpu.memory_space<hbm>>, %arg8: memref<100001x64xf32, #tpu.memory_space<hbm>>, %arg9: memref<1024x64xf32, #tpu.memory_space<hbm>>, %arg10: memref<1024x64xf32, #tpu.memory_space<hbm>>, %arg11: memref<1024xi32, #tpu.memory_space<hbm>>, %arg12: memref<6400xi32, #tpu.memory_space<vmem>>, %arg13: memref<6400xi32, #tpu.memory_space<vmem>>, %arg14: memref<24x128xi32, #tpu.memory_space<vmem>>, %arg15: memref<32xi32, #tpu.memory_space<vmem>>, %arg16: memref<32xi32, #tpu.memory_space<vmem>>, %arg17: memref<32xi32, #tpu.memory_space<vmem>>, %arg18: memref<32xi32, #tpu.memory_space<vmem>>, %arg19: memref<3072xi32, #tpu.memory_space<vmem>>, %arg20: memref<3072xi32, #tpu.memory_space<vmem>>, %arg21: memref<1536xi32, #tpu.memory_space<vmem>>, %arg22: memref<1536xi32, #tpu.memory_space<vmem>>, %arg23: memref<512x64xf32, #tpu.memory_space<vmem>>, %arg24: memref<512x64xf32, #tpu.memory_space<vmem>>, %arg25: memref<520x64xf32, #tpu.memory_space<vmem_shared>>, %arg26: memref<520x64xf32, #tpu.memory_space<vmem_shared>>, %arg27: memref<!tpu.dma_semaphore, #tpu.memory_space<semaphore_mem>>, %arg28: memref<!tpu.dma_semaphore, #tpu.memory_space<semaphore_mem>>, %arg29: memref<!tpu.dma_semaphore, #tpu.memory_space<semaphore_mem>>, %arg30: memref<!tpu.dma_semaphore, #tpu.memory_space<semaphore_mem>>) attributes {dimension_semantics = [#tpu.dimension_semantics<core_parallel>, #tpu.dimension_semantics<subcore_parallel>], iteration_bounds = array<i64: 2, 16>, scalar_prefetch = 0 : i64, scratch_operands = 19 : i64, tpu.core_type = #tpu.core_type<sc_vector_subcore>, window_params = [{transform_indices = #map}, {transform_indices = #map}, {transform_indices = #map1}, {transform_indices = #map}, {transform_indices = #map}, {transform_indices = #map}, {transform_indices = #map2}, {transform_indices = #map2}, {transform_indices = #map2}, {transform_indices = #map}]} {
    %mul3A = arith.constant 16 : i32
    %mul3A_0 = arith.muli %arg0, %mul3A : i32
    %add3A = arith.addi %mul3A_0, %arg1 : i32
    %mul3A_1 = arith.constant 32 : i32
    %mul3A_2 = arith.muli %add3A, %mul3A_1 : i32
    %broadcast_in_dim3A = arith.constant 0.000000e+00 : f32
    %broadcast_in_dim3A_3 = vector.broadcast %broadcast_in_dim3A : f32 to vector<16xf32>
    %scan3A = arith.constant 0 : i32
    %scan3A_4 = arith.constant 0 : i32
    %scan3A_5 = arith.constant 32 : i32
    %scan3A_6 = arith.addi %scan3A_4, %scan3A_5 : i32
    %scan3A_7 = arith.constant 1 : i32
    scf.for %scan3A_240 = %scan3A_4 to %scan3A_6 step %scan3A_7  : i32 {
      %swap3A_241 = arith.index_cast %scan3A_240 : i32 to index
      %swap3A_242 = arith.constant 0 : index
      %swap3A_243 = tpu.vector_load %arg23[%swap3A_241, %swap3A_242] {strides = array<i32>} : memref<512x64xf32, #tpu.memory_space<vmem>>, vector<16xf32>,
      tpu.vector_store %arg23[%swap3A_241, %swap3A_242], %broadcast_in_dim3A_3 {strides = array<i32>} : memref<512x64xf32, #tpu.memory_space<vmem>>, vector<16xf32>,
      %swap3A_244 = arith.index_cast %scan3A_240 : i32 to index
      %swap3A_245 = arith.constant 16 : index
      %swap3A_246 = tpu.vector_load %arg23[%swap3A_244, %swap3A_245] {strides = array<i32>} : memref<512x64xf32, #tpu.memory_space<vmem>>, vector<16xf32>,
      tpu.vector_store %arg23[%swap3A_244, %swap3A_245], %broadcast_in_dim3A_3 {strides = array<i32>} : memref<512x64xf32, #tpu.memory_space<vmem>>, vector<16xf32>,
      %swap3A_247 = arith.index_cast %scan3A_240 : i32 to index
      %swap3A_248 = arith.constant 32 : index
      %swap3A_249 = tpu.vector_load %arg23[%swap3A_247, %swap3A_248] {strides = array<i32>} : memref<512x64xf32, #tpu.memory_space<vmem>>, vector<16xf32>,
      tpu.vector_store %arg23[%swap3A_247, %swap3A_248], %broadcast_in_dim3A_3 {strides = array<i32>} : memref<512x64xf32, #tpu.memory_space<vmem>>, vector<16xf32>,
      %swap3A_250 = arith.index_cast %scan3A_240 : i32 to index
      %swap3A_251 = arith.constant 48 : index
      %swap3A_252 = tpu.vector_load %arg23[%swap3A_250, %swap3A_251] {strides = array<i32>} : memref<512x64xf32, #tpu.memory_space<vmem>>, vector<16xf32>,
      tpu.vector_store %arg23[%swap3A_250, %swap3A_251], %broadcast_in_dim3A_3 {strides = array<i32>} : memref<512x64xf32, #tpu.memory_space<vmem>>, vector<16xf32>,
    }
    %scan3A_8 = arith.constant 32 : i32
    %mul3A_9 = arith.constant 32 : i32
    %mul3A_10 = arith.muli %arg1, %mul3A_9 : i32
    "tpu.region"() ({
      %run_scoped3A = tpu.sem_alloc : memref<!tpu.dma_semaphore, #tpu.memory_space<semaphore_mem>>
      %dma_start3A_240 = arith.constant 0 : i32
      %dma_start3A_241 = arith.constant 0 : i32
      %dma_start3A_242 = tpu.memref_slice %arg23[%dma_start3A_240, %dma_start3A_241] : memref<512x64xf32, #tpu.memory_space<vmem>> -> memref<32x64xf32, #tpu.memory_space<vmem>>
      %dma_start3A_243 = arith.constant 0 : i32
      %dma_start3A_244 = tpu.memref_slice %arg25[%mul3A_10, %dma_start3A_243] : memref<520x64xf32, #tpu.memory_space<vmem_shared>> -> memref<32x64xf32, #tpu.memory_space<vmem_shared>>
      %dma_start3A_245 = arith.constant 0 : i32
      %dma_start3A_246 = tpu.memref_slice %arg25[%mul3A_10, %dma_start3A_245] : memref<520x64xf32, #tpu.memory_space<vmem_shared>> -> memref<32x64xf32, #tpu.memory_space<vmem_shared>>
      %dma_start3A_247 = arith.constant 0 : i32
      %dma_start3A_248 = arith.constant 0 : i32
      %dma_start3A_249 = tpu.memref_slice %arg23[%dma_start3A_247, %dma_start3A_248] : memref<512x64xf32, #tpu.memory_space<vmem>> -> memref<32x64xf32, #tpu.memory_space<vmem>>
      tpu.enqueue_dma source(%dma_start3A_249 : memref<32x64xf32, #tpu.memory_space<vmem>>) target(%dma_start3A_246 : memref<32x64xf32, #tpu.memory_space<vmem_shared>>) target_semaphore(%run_scoped3A : memref<!tpu.dma_semaphore, #tpu.memory_space<semaphore_mem>>)
      %dma_wait3A_250 = arith.constant 0 : i32
      %dma_wait3A_251 = arith.constant 0 : i32
      %dma_wait3A_252 = tpu.memref_slice %arg23[%dma_wait3A_250, %dma_wait3A_251] : memref<512x64xf32, #tpu.memory_space<vmem>> -> memref<32x64xf32, #tpu.memory_space<vmem>>
      %dma_wait3A_253 = arith.constant 0 : i32
      %dma_wait3A_254 = tpu.memref_slice %arg25[%mul3A_10, %dma_wait3A_253] : memref<520x64xf32, #tpu.memory_space<vmem_shared>> -> memref<32x64xf32, #tpu.memory_space<vmem_shared>>
      %dma_wait3A_255 = arith.constant 0 : i32
      %dma_wait3A_256 = tpu.memref_slice %arg25[%mul3A_10, %dma_wait3A_255] : memref<520x64xf32, #tpu.memory_space<vmem_shared>> -> memref<32x64xf32, #tpu.memory_space<vmem_shared>>
      %dma_wait3A_257 = arith.constant 0 : i32
      %dma_wait3A_258 = arith.constant 0 : i32
      %dma_wait3A_259 = tpu.memref_slice %arg23[%dma_wait3A_257, %dma_wait3A_258] : memref<512x64xf32, #tpu.memory_space<vmem>> -> memref<32x64xf32, #tpu.memory_space<vmem>>
      tpu.wait_dma2 semaphore(%run_scoped3A : memref<!tpu.dma_semaphore, #tpu.memory_space<semaphore_mem>>) src(%dma_wait3A_259 : memref<32x64xf32, #tpu.memory_space<vmem>>) dst(%dma_wait3A_256 : memref<32x64xf32, #tpu.memory_space<vmem_shared>>)
      tpu.yield
    }) : () -> ()
    %mul3A_11 = arith.constant 32 : i32
    %mul3A_12 = arith.muli %arg1, %mul3A_11 : i32
    "tpu.region"() ({
      %run_scoped3A = tpu.sem_alloc : memref<!tpu.dma_semaphore, #tpu.memory_space<semaphore_mem>>
      %dma_start3A_240 = arith.constant 0 : i32
      %dma_start3A_241 = arith.constant 0 : i32
      %dma_start3A_242 = tpu.memref_slice %arg23[%dma_start3A_240, %dma_start3A_241] : memref<512x64xf32, #tpu.memory_space<vmem>> -> memref<32x64xf32, #tpu.memory_space<vmem>>
      %dma_start3A_243 = arith.constant 0 : i32
      %dma_start3A_244 = tpu.memref_slice %arg26[%mul3A_12, %dma_start3A_243] : memref<520x64xf32, #tpu.memory_space<vmem_shared>> -> memref<32x64xf32, #tpu.memory_space<vmem_shared>>
      %dma_start3A_245 = arith.constant 0 : i32
      %dma_start3A_246 = tpu.memref_slice %arg26[%mul3A_12, %dma_start3A_245] : memref<520x64xf32, #tpu.memory_space<vmem_shared>> -> memref<32x64xf32, #tpu.memory_space<vmem_shared>>
      %dma_start3A_247 = arith.constant 0 : i32
      %dma_start3A_248 = arith.constant 0 : i32
      %dma_start3A_249 = tpu.memref_slice %arg23[%dma_start3A_247, %dma_start3A_248] : memref<512x64xf32, #tpu.memory_space<vmem>> -> memref<32x64xf32, #tpu.memory_space<vmem>>
      tpu.enqueue_dma source(%dma_start3A_249 : memref<32x64xf32, #tpu.memory_space<vmem>>) target(%dma_start3A_246 : memref<32x64xf32, #tpu.memory_space<vmem_shared>>) target_semaphore(%run_scoped3A : memref<!tpu.dma_semaphore, #tpu.memory_space<semaphore_mem>>)
      %dma_wait3A_250 = arith.constant 0 : i32
      %dma_wait3A_251 = arith.constant 0 : i32
      %dma_wait3A_252 = tpu.memref_slice %arg23[%dma_wait3A_250, %dma_wait3A_251] : memref<512x64xf32, #tpu.memory_space<vmem>> -> memref<32x64xf32, #tpu.memory_space<vmem>>
      %dma_wait3A_253 = arith.constant 0 : i32
      %dma_wait3A_254 = tpu.memref_slice %arg26[%mul3A_12, %dma_wait3A_253] : memref<520x64xf32, #tpu.memory_space<vmem_shared>> -> memref<32x64xf32, #tpu.memory_space<vmem_shared>>
      %dma_wait3A_255 = arith.constant 0 : i32
      %dma_wait3A_256 = tpu.memref_slice %arg26[%mul3A_12, %dma_wait3A_255] : memref<520x64xf32, #tpu.memory_space<vmem_shared>> -> memref<32x64xf32, #tpu.memory_space<vmem_shared>>
      %dma_wait3A_257 = arith.constant 0 : i32
      %dma_wait3A_258 = arith.constant 0 : i32
      %dma_wait3A_259 = tpu.memref_slice %arg23[%dma_wait3A_257, %dma_wait3A_258] : memref<512x64xf32, #tpu.memory_space<vmem>> -> memref<32x64xf32, #tpu.memory_space<vmem>>
      tpu.wait_dma2 semaphore(%run_scoped3A : memref<!tpu.dma_semaphore, #tpu.memory_space<semaphore_mem>>) src(%dma_wait3A_259 : memref<32x64xf32, #tpu.memory_space<vmem>>) dst(%dma_wait3A_256 : memref<32x64xf32, #tpu.memory_space<vmem_shared>>)
      tpu.yield
    }) : () -> ()
    %eq3A = arith.constant 0 : i32
    %eq3A_13 = arith.cmpi eq, %arg1, %eq3A : i32
    %convert_element_type3A = arith.extui %eq3A_13 : i1 to i32
    %cond3A = arith.constant 0 : i32
    %cond3A_14 = arith.cmpi ne, %convert_element_type3A, %cond3A : i32
    scf.if %cond3A_14 {
      "tpu.region"() ({
        %run_scoped3A = tpu.sem_alloc : memref<!tpu.dma_semaphore, #tpu.memory_space<semaphore_mem>>
        %dma_start3A_240 = arith.constant 0 : i32
        %dma_start3A_241 = arith.constant 0 : i32
        %dma_start3A_242 = tpu.memref_slice %arg23[%dma_start3A_240, %dma_start3A_241] : memref<512x64xf32, #tpu.memory_space<vmem>> -> memref<8x64xf32, #tpu.memory_space<vmem>>
        %dma_start3A_243 = arith.constant 512 : i32
        %dma_start3A_244 = arith.constant 0 : i32
        %dma_start3A_245 = tpu.memref_slice %arg25[%dma_start3A_243, %dma_start3A_244] : memref<520x64xf32, #tpu.memory_space<vmem_shared>> -> memref<8x64xf32, #tpu.memory_space<vmem_shared>>
        %dma_start3A_246 = arith.constant 512 : i32
        %dma_start3A_247 = arith.constant 0 : i32
        %dma_start3A_248 = tpu.memref_slice %arg25[%dma_start3A_246, %dma_start3A_247] : memref<520x64xf32, #tpu.memory_space<vmem_shared>> -> memref<8x64xf32, #tpu.memory_space<vmem_shared>>
        %dma_start3A_249 = arith.constant 0 : i32
        %dma_start3A_250 = arith.constant 0 : i32
        %dma_start3A_251 = tpu.memref_slice %arg23[%dma_start3A_249, %dma_start3A_250] : memref<512x64xf32, #tpu.memory_space<vmem>> -> memref<8x64xf32, #tpu.memory_space<vmem>>
        tpu.enqueue_dma source(%dma_start3A_251 : memref<8x64xf32, #tpu.memory_space<vmem>>) target(%dma_start3A_248 : memref<8x64xf32, #tpu.memory_space<vmem_shared>>) target_semaphore(%run_scoped3A : memref<!tpu.dma_semaphore, #tpu.memory_space<semaphore_mem>>)
        %dma_wait3A_252 = arith.constant 0 : i32
        %dma_wait3A_253 = arith.constant 0 : i32
        %dma_wait3A_254 = tpu.memref_slice %arg23[%dma_wait3A_252, %dma_wait3A_253] : memref<512x64xf32, #tpu.memory_space<vmem>> -> memref<8x64xf32, #tpu.memory_space<vmem>>
        %dma_wait3A_255 = arith.constant 512 : i32
        %dma_wait3A_256 = arith.constant 0 : i32
        %dma_wait3A_257 = tpu.memref_slice %arg25[%dma_wait3A_255, %dma_wait3A_256] : memref<520x64xf32, #tpu.memory_space<vmem_shared>> -> memref<8x64xf32, #tpu.memory_space<vmem_shared>>
        %dma_wait3A_258 = arith.constant 512 : i32
        %dma_wait3A_259 = arith.constant 0 : i32
        %dma_wait3A_260 = tpu.memref_slice %arg25[%dma_wait3A_258, %dma_wait3A_259] : memref<520x64xf32, #tpu.memory_space<vmem_shared>> -> memref<8x64xf32, #tpu.memory_space<vmem_shared>>
        %dma_wait3A_261 = arith.constant 0 : i32
        %dma_wait3A_262 = arith.constant 0 : i32
        %dma_wait3A_263 = tpu.memref_slice %arg23[%dma_wait3A_261, %dma_wait3A_262] : memref<512x64xf32, #tpu.memory_space<vmem>> -> memref<8x64xf32, #tpu.memory_space<vmem>>
        tpu.wait_dma2 semaphore(%run_scoped3A : memref<!tpu.dma_semaphore, #tpu.memory_space<semaphore_mem>>) src(%dma_wait3A_263 : memref<8x64xf32, #tpu.memory_space<vmem>>) dst(%dma_wait3A_260 : memref<8x64xf32, #tpu.memory_space<vmem_shared>>)
        tpu.yield
      }) : () -> ()
      "tpu.region"() ({
        %run_scoped3A = tpu.sem_alloc : memref<!tpu.dma_semaphore, #tpu.memory_space<semaphore_mem>>
        %dma_start3A_240 = arith.constant 0 : i32
        %dma_start3A_241 = arith.constant 0 : i32
        %dma_start3A_242 = tpu.memref_slice %arg23[%dma_start3A_240, %dma_start3A_241] : memref<512x64xf32, #tpu.memory_space<vmem>> -> memref<8x64xf32, #tpu.memory_space<vmem>>
        %dma_start3A_243 = arith.constant 512 : i32
        %dma_start3A_244 = arith.constant 0 : i32
        %dma_start3A_245 = tpu.memref_slice %arg26[%dma_start3A_243, %dma_start3A_244] : memref<520x64xf32, #tpu.memory_space<vmem_shared>> -> memref<8x64xf32, #tpu.memory_space<vmem_shared>>
        %dma_start3A_246 = arith.constant 512 : i32
        %dma_start3A_247 = arith.constant 0 : i32
        %dma_start3A_248 = tpu.memref_slice %arg26[%dma_start3A_246, %dma_start3A_247] : memref<520x64xf32, #tpu.memory_space<vmem_shared>> -> memref<8x64xf32, #tpu.memory_space<vmem_shared>>
        %dma_start3A_249 = arith.constant 0 : i32
        %dma_start3A_250 = arith.constant 0 : i32
        %dma_start3A_251 = tpu.memref_slice %arg23[%dma_start3A_249, %dma_start3A_250] : memref<512x64xf32, #tpu.memory_space<vmem>> -> memref<8x64xf32, #tpu.memory_space<vmem>>
        tpu.enqueue_dma source(%dma_start3A_251 : memref<8x64xf32, #tpu.memory_space<vmem>>) target(%dma_start3A_248 : memref<8x64xf32, #tpu.memory_space<vmem_shared>>) target_semaphore(%run_scoped3A : memref<!tpu.dma_semaphore, #tpu.memory_space<semaphore_mem>>)
        %dma_wait3A_252 = arith.constant 0 : i32
        %dma_wait3A_253 = arith.constant 0 : i32
        %dma_wait3A_254 = tpu.memref_slice %arg23[%dma_wait3A_252, %dma_wait3A_253] : memref<512x64xf32, #tpu.memory_space<vmem>> -> memref<8x64xf32, #tpu.memory_space<vmem>>
        %dma_wait3A_255 = arith.constant 512 : i32
        %dma_wait3A_256 = arith.constant 0 : i32
        %dma_wait3A_257 = tpu.memref_slice %arg26[%dma_wait3A_255, %dma_wait3A_256] : memref<520x64xf32, #tpu.memory_space<vmem_shared>> -> memref<8x64xf32, #tpu.memory_space<vmem_shared>>
        %dma_wait3A_258 = arith.constant 512 : i32
        %dma_wait3A_259 = arith.constant 0 : i32
        %dma_wait3A_260 = tpu.memref_slice %arg26[%dma_wait3A_258, %dma_wait3A_259] : memref<520x64xf32, #tpu.memory_space<vmem_shared>> -> memref<8x64xf32, #tpu.memory_space<vmem_shared>>
        %dma_wait3A_261 = arith.constant 0 : i32
        %dma_wait3A_262 = arith.constant 0 : i32
        %dma_wait3A_263 = tpu.memref_slice %arg23[%dma_wait3A_261, %dma_wait3A_262] : memref<512x64xf32, #tpu.memory_space<vmem>> -> memref<8x64xf32, #tpu.memory_space<vmem>>
        tpu.wait_dma2 semaphore(%run_scoped3A : memref<!tpu.dma_semaphore, #tpu.memory_space<semaphore_mem>>) src(%dma_wait3A_263 : memref<8x64xf32, #tpu.memory_space<vmem>>) dst(%dma_wait3A_260 : memref<8x64xf32, #tpu.memory_space<vmem_shared>>)
        tpu.yield
      }) : () -> ()
    } else {
    }
    %barrier3A = arith.constant 0 : index
    tpu.barrier barrier_id(%barrier3A)
    %mul3A_15 = arith.constant 200 : i32
    %mul3A_16 = arith.muli %mul3A_2, %mul3A_15 : i32
    "tpu.region"() ({
      %run_scoped3A = tpu.sem_alloc : memref<!tpu.dma_semaphore, #tpu.memory_space<semaphore_mem>>
      %dma_start3A_240 = tpu.memref_slice %arg2[%mul3A_16] : memref<204800xi32, #tpu.memory_space<hbm>> -> memref<6400xi32, #tpu.memory_space<hbm>>
      %dma_start3A_241 = tpu.memref_slice %arg2[%mul3A_16] : memref<204800xi32, #tpu.memory_space<hbm>> -> memref<6400xi32, #tpu.memory_space<hbm>>
      tpu.enqueue_dma source(%dma_start3A_241 : memref<6400xi32, #tpu.memory_space<hbm>>) target(%arg12 : memref<6400xi32, #tpu.memory_space<vmem>>) target_semaphore(%run_scoped3A : memref<!tpu.dma_semaphore, #tpu.memory_space<semaphore_mem>>)
      %dma_wait3A_242 = tpu.memref_slice %arg2[%mul3A_16] : memref<204800xi32, #tpu.memory_space<hbm>> -> memref<6400xi32, #tpu.memory_space<hbm>>
      %dma_wait3A_243 = tpu.memref_slice %arg2[%mul3A_16] : memref<204800xi32, #tpu.memory_space<hbm>> -> memref<6400xi32, #tpu.memory_space<hbm>>
      tpu.wait_dma2 semaphore(%run_scoped3A : memref<!tpu.dma_semaphore, #tpu.memory_space<semaphore_mem>>) src(%dma_wait3A_243 : memref<6400xi32, #tpu.memory_space<hbm>>) dst(%arg12 : memref<6400xi32, #tpu.memory_space<vmem>>)
      tpu.yield
    }) : () -> ()
    %mul3A_17 = arith.constant 200 : i32
    %mul3A_18 = arith.muli %mul3A_2, %mul3A_17 : i32
    "tpu.region"() ({
      %run_scoped3A = tpu.sem_alloc : memref<!tpu.dma_semaphore, #tpu.memory_space<semaphore_mem>>
      %dma_start3A_240 = tpu.memref_slice %arg3[%mul3A_18] : memref<204800xi32, #tpu.memory_space<hbm>> -> memref<6400xi32, #tpu.memory_space<hbm>>
      %dma_start3A_241 = tpu.memref_slice %arg3[%mul3A_18] : memref<204800xi32, #tpu.memory_space<hbm>> -> memref<6400xi32, #tpu.memory_space<hbm>>
      tpu.enqueue_dma source(%dma_start3A_241 : memref<6400xi32, #tpu.memory_space<hbm>>) target(%arg13 : memref<6400xi32, #tpu.memory_space<vmem>>) target_semaphore(%run_scoped3A : memref<!tpu.dma_semaphore, #tpu.memory_space<semaphore_mem>>)
      %dma_wait3A_242 = tpu.memref_slice %arg3[%mul3A_18] : memref<204800xi32, #tpu.memory_space<hbm>> -> memref<6400xi32, #tpu.memory_space<hbm>>
      %dma_wait3A_243 = tpu.memref_slice %arg3[%mul3A_18] : memref<204800xi32, #tpu.memory_space<hbm>> -> memref<6400xi32, #tpu.memory_space<hbm>>
      tpu.wait_dma2 semaphore(%run_scoped3A : memref<!tpu.dma_semaphore, #tpu.memory_space<semaphore_mem>>) src(%dma_wait3A_243 : memref<6400xi32, #tpu.memory_space<hbm>>) dst(%arg13 : memref<6400xi32, #tpu.memory_space<vmem>>)
      tpu.yield
    }) : () -> ()
    "tpu.region"() ({
      %run_scoped3A = tpu.sem_alloc : memref<!tpu.dma_semaphore, #tpu.memory_space<semaphore_mem>>
      %dma_start3A_240 = arith.constant 0 : i32
      %dma_start3A_241 = arith.constant 0 : i32
      %dma_start3A_242 = tpu.memref_slice %arg4[%add3A, %dma_start3A_240, %dma_start3A_241] : memref<32x24x128xi32, #tpu.memory_space<hbm>> -> memref<1x24x128xi32, #tpu.memory_space<hbm>>
      %dma_start3A_243 = tpu.memref_squeeze %dma_start3A_242 : memref<1x24x128xi32, #tpu.memory_space<hbm>> -> memref<24x128xi32, #tpu.memory_space<hbm>>
      %dma_start3A_244 = arith.constant 0 : i32
      %dma_start3A_245 = arith.constant 0 : i32
      %dma_start3A_246 = tpu.memref_slice %arg4[%add3A, %dma_start3A_244, %dma_start3A_245] : memref<32x24x128xi32, #tpu.memory_space<hbm>> -> memref<1x24x128xi32, #tpu.memory_space<hbm>>
      %dma_start3A_247 = tpu.memref_squeeze %dma_start3A_246 : memref<1x24x128xi32, #tpu.memory_space<hbm>> -> memref<24x128xi32, #tpu.memory_space<hbm>>
      tpu.enqueue_dma source(%dma_start3A_247 : memref<24x128xi32, #tpu.memory_space<hbm>>) target(%arg14 : memref<24x128xi32, #tpu.memory_space<vmem>>) target_semaphore(%run_scoped3A : memref<!tpu.dma_semaphore, #tpu.memory_space<semaphore_mem>>)
      %dma_wait3A_248 = arith.constant 0 : i32
      %dma_wait3A_249 = arith.constant 0 : i32
      %dma_wait3A_250 = tpu.memref_slice %arg4[%add3A, %dma_wait3A_248, %dma_wait3A_249] : memref<32x24x128xi32, #tpu.memory_space<hbm>> -> memref<1x24x128xi32, #tpu.memory_space<hbm>>
      %dma_wait3A_251 = tpu.memref_squeeze %dma_wait3A_250 : memref<1x24x128xi32, #tpu.memory_space<hbm>> -> memref<24x128xi32, #tpu.memory_space<hbm>>
      %dma_wait3A_252 = arith.constant 0 : i32
      %dma_wait3A_253 = arith.constant 0 : i32
      %dma_wait3A_254 = tpu.memref_slice %arg4[%add3A, %dma_wait3A_252, %dma_wait3A_253] : memref<32x24x128xi32, #tpu.memory_space<hbm>> -> memref<1x24x128xi32, #tpu.memory_space<hbm>>
      %dma_wait3A_255 = tpu.memref_squeeze %dma_wait3A_254 : memref<1x24x128xi32, #tpu.memory_space<hbm>> -> memref<24x128xi32, #tpu.memory_space<hbm>>
      tpu.wait_dma2 semaphore(%run_scoped3A : memref<!tpu.dma_semaphore, #tpu.memory_space<semaphore_mem>>) src(%dma_wait3A_255 : memref<24x128xi32, #tpu.memory_space<hbm>>) dst(%arg14 : memref<24x128xi32, #tpu.memory_space<vmem>>)
      tpu.yield
    }) : () -> ()
    "tpu.region"() ({
      %run_scoped3A = tpu.sem_alloc : memref<!tpu.dma_semaphore, #tpu.memory_space<semaphore_mem>>
      %dma_start3A_240 = tpu.memref_slice %arg5[%mul3A_2] : memref<1024xi32, #tpu.memory_space<hbm>> -> memref<32xi32, #tpu.memory_space<hbm>>
      %dma_start3A_241 = tpu.memref_slice %arg5[%mul3A_2] : memref<1024xi32, #tpu.memory_space<hbm>> -> memref<32xi32, #tpu.memory_space<hbm>>
      tpu.enqueue_dma source(%dma_start3A_241 : memref<32xi32, #tpu.memory_space<hbm>>) target(%arg15 : memref<32xi32, #tpu.memory_space<vmem>>) target_semaphore(%run_scoped3A : memref<!tpu.dma_semaphore, #tpu.memory_space<semaphore_mem>>)
      %dma_wait3A_242 = tpu.memref_slice %arg5[%mul3A_2] : memref<1024xi32, #tpu.memory_space<hbm>> -> memref<32xi32, #tpu.memory_space<hbm>>
      %dma_wait3A_243 = tpu.memref_slice %arg5[%mul3A_2] : memref<1024xi32, #tpu.memory_space<hbm>> -> memref<32xi32, #tpu.memory_space<hbm>>
      tpu.wait_dma2 semaphore(%run_scoped3A : memref<!tpu.dma_semaphore, #tpu.memory_space<semaphore_mem>>) src(%dma_wait3A_243 : memref<32xi32, #tpu.memory_space<hbm>>) dst(%arg15 : memref<32xi32, #tpu.memory_space<vmem>>)
      tpu.yield
    }) : () -> ()
    "tpu.region"() ({
      %run_scoped3A = tpu.sem_alloc : memref<!tpu.dma_semaphore, #tpu.memory_space<semaphore_mem>>
      %dma_start3A_240 = tpu.memref_slice %arg6[%mul3A_2] : memref<1024xi32, #tpu.memory_space<hbm>> -> memref<32xi32, #tpu.memory_space<hbm>>
      %dma_start3A_241 = tpu.memref_slice %arg6[%mul3A_2] : memref<1024xi32, #tpu.memory_space<hbm>> -> memref<32xi32, #tpu.memory_space<hbm>>
      tpu.enqueue_dma source(%dma_start3A_241 : memref<32xi32, #tpu.memory_space<hbm>>) target(%arg16 : memref<32xi32, #tpu.memory_space<vmem>>) target_semaphore(%run_scoped3A : memref<!tpu.dma_semaphore, #tpu.memory_space<semaphore_mem>>)
      %dma_wait3A_242 = tpu.memref_slice %arg6[%mul3A_2] : memref<1024xi32, #tpu.memory_space<hbm>> -> memref<32xi32, #tpu.memory_space<hbm>>
      %dma_wait3A_243 = tpu.memref_slice %arg6[%mul3A_2] : memref<1024xi32, #tpu.memory_space<hbm>> -> memref<32xi32, #tpu.memory_space<hbm>>
      tpu.wait_dma2 semaphore(%run_scoped3A : memref<!tpu.dma_semaphore, #tpu.memory_space<semaphore_mem>>) src(%dma_wait3A_243 : memref<32xi32, #tpu.memory_space<hbm>>) dst(%arg16 : memref<32xi32, #tpu.memory_space<vmem>>)
      tpu.yield
    }) : () -> ()
    "tpu.region"() ({
      %run_scoped3A = tpu.sem_alloc : memref<!tpu.dma_semaphore, #tpu.memory_space<semaphore_mem>>
      %dma_start3A_240 = tpu.memref_slice %arg7[%mul3A_2] : memref<1024xi32, #tpu.memory_space<hbm>> -> memref<32xi32, #tpu.memory_space<hbm>>
      %dma_start3A_241 = tpu.memref_slice %arg7[%mul3A_2] : memref<1024xi32, #tpu.memory_space<hbm>> -> memref<32xi32, #tpu.memory_space<hbm>>
      tpu.enqueue_dma source(%dma_start3A_241 : memref<32xi32, #tpu.memory_space<hbm>>) target(%arg17 : memref<32xi32, #tpu.memory_space<vmem>>) target_semaphore(%run_scoped3A : memref<!tpu.dma_semaphore, #tpu.memory_space<semaphore_mem>>)
      %dma_wait3A_242 = tpu.memref_slice %arg7[%mul3A_2] : memref<1024xi32, #tpu.memory_space<hbm>> -> memref<32xi32, #tpu.memory_space<hbm>>
      %dma_wait3A_243 = tpu.memref_slice %arg7[%mul3A_2] : memref<1024xi32, #tpu.memory_space<hbm>> -> memref<32xi32, #tpu.memory_space<hbm>>
      tpu.wait_dma2 semaphore(%run_scoped3A : memref<!tpu.dma_semaphore, #tpu.memory_space<semaphore_mem>>) src(%dma_wait3A_243 : memref<32xi32, #tpu.memory_space<hbm>>) dst(%arg17 : memref<32xi32, #tpu.memory_space<vmem>>)
      tpu.yield
    }) : () -> ()
    %iota3A = tpu.iota {dimensions = array<i32: 0>} : vector<16xi32>
    %add3A_19 = arith.constant 0 : i32
    %add3A_20 = vector.broadcast %add3A_19 : i32 to vector<16xi32>
    %add3A_21 = arith.addi %add3A_20, %iota3A : vector<16xi32>
    %get3A = arith.constant 0 : index
    %get3A_22 = tpu.vector_load %arg15[%get3A] {strides = array<i32>} : memref<32xi32, #tpu.memory_space<vmem>>, vector<16xi32>,
    %mul3A_23 = arith.constant 200 : i32
    %mul3A_24 = vector.broadcast %mul3A_23 : i32 to vector<16xi32>
    %mul3A_25 = arith.muli %add3A_21, %mul3A_24 : vector<16xi32>
    %add3A_26 = arith.addi %mul3A_25, %get3A_22 : vector<16xi32>
    %sub3A = arith.constant 1 : i32
    %sub3A_27 = vector.broadcast %sub3A : i32 to vector<16xi32>
    %sub3A_28 = arith.subi %add3A_26, %sub3A_27 : vector<16xi32>
    %gather3A = tpu.vector_load_idx %arg13[%sub3A_28] : memref<6400xi32, #tpu.memory_space<vmem>>[vector<16xi32>], vector<16xi32>,
    %swap3A = arith.constant 0 : index
    %swap3A_29 = tpu.vector_load %arg18[%swap3A] {strides = array<i32>} : memref<32xi32, #tpu.memory_space<vmem>>, vector<16xi32>,
    tpu.vector_store %arg18[%swap3A], %gather3A {strides = array<i32>} : memref<32xi32, #tpu.memory_space<vmem>>, vector<16xi32>,
    %add3A_30 = arith.constant 16 : i32
    %add3A_31 = vector.broadcast %add3A_30 : i32 to vector<16xi32>
    %add3A_32 = arith.addi %add3A_31, %iota3A : vector<16xi32>
    %get3A_33 = arith.constant 16 : index
    %get3A_34 = tpu.vector_load %arg15[%get3A_33] {strides = array<i32>} : memref<32xi32, #tpu.memory_space<vmem>>, vector<16xi32>,
    %mul3A_35 = arith.constant 200 : i32
    %mul3A_36 = vector.broadcast %mul3A_35 : i32 to vector<16xi32>
    %mul3A_37 = arith.muli %add3A_32, %mul3A_36 : vector<16xi32>
    %add3A_38 = arith.addi %mul3A_37, %get3A_34 : vector<16xi32>
    %sub3A_39 = arith.constant 1 : i32
    %sub3A_40 = vector.broadcast %sub3A_39 : i32 to vector<16xi32>
    %sub3A_41 = arith.subi %add3A_38, %sub3A_40 : vector<16xi32>
    %gather3A_42 = tpu.vector_load_idx %arg13[%sub3A_41] : memref<6400xi32, #tpu.memory_space<vmem>>[vector<16xi32>], vector<16xi32>,
    %swap3A_43 = arith.constant 16 : index
    %swap3A_44 = tpu.vector_load %arg18[%swap3A_43] {strides = array<i32>} : memref<32xi32, #tpu.memory_space<vmem>>, vector<16xi32>,
    tpu.vector_store %arg18[%swap3A_43], %gather3A_42 {strides = array<i32>} : memref<32xi32, #tpu.memory_space<vmem>>, vector<16xi32>,
    "tpu.region"() ({
      %run_scoped3A = tpu.sem_alloc : memref<!tpu.dma_semaphore, #tpu.memory_space<semaphore_mem>>
      %dma_start3A_240 = tpu.memref_slice %arg11[%mul3A_2] : memref<1024xi32, #tpu.memory_space<hbm>> -> memref<32xi32, #tpu.memory_space<hbm>>
      %dma_start3A_241 = tpu.memref_slice %arg11[%mul3A_2] : memref<1024xi32, #tpu.memory_space<hbm>> -> memref<32xi32, #tpu.memory_space<hbm>>
      tpu.enqueue_dma source(%arg18 : memref<32xi32, #tpu.memory_space<vmem>>) target(%dma_start3A_241 : memref<32xi32, #tpu.memory_space<hbm>>) target_semaphore(%run_scoped3A : memref<!tpu.dma_semaphore, #tpu.memory_space<semaphore_mem>>)
      %dma_wait3A_242 = tpu.memref_slice %arg11[%mul3A_2] : memref<1024xi32, #tpu.memory_space<hbm>> -> memref<32xi32, #tpu.memory_space<hbm>>
      %dma_wait3A_243 = tpu.memref_slice %arg11[%mul3A_2] : memref<1024xi32, #tpu.memory_space<hbm>> -> memref<32xi32, #tpu.memory_space<hbm>>
      tpu.wait_dma2 semaphore(%run_scoped3A : memref<!tpu.dma_semaphore, #tpu.memory_space<semaphore_mem>>) src(%arg18 : memref<32xi32, #tpu.memory_space<vmem>>) dst(%dma_wait3A_243 : memref<32xi32, #tpu.memory_space<hbm>>)
      tpu.yield
    }) : () -> ()
    %scan3A_45 = arith.constant 0 : i32
    %scan3A_46 = arith.constant 0 : i32
    %scan3A_47 = arith.constant 24 : i32
    %scan3A_48 = arith.addi %scan3A_46, %scan3A_47 : i32
    %scan3A_49 = arith.constant 1 : i32
    scf.for %scan3A_240 = %scan3A_46 to %scan3A_48 step %scan3A_49  : i32 {
      %mul3A_241 = arith.constant 128 : i32
      %mul3A_242 = arith.muli %scan3A_240, %mul3A_241 : i32
      %add3A_243 = arith.constant 0 : i32
      %add3A_244 = arith.addi %mul3A_242, %add3A_243 : i32
      %add3A_245 = vector.broadcast %add3A_244 : i32 to vector<16xi32>
      %add3A_246 = arith.addi %add3A_245, %iota3A : vector<16xi32>
      %jit3A = arith.constant 96 : i32
      %div3A = vector.broadcast %jit3A : i32 to vector<16xi32>
      %div3A_247 = arith.divsi %add3A_246, %div3A : vector<16xi32>
      %sign3A = arith.constant 0 : i32
      %sign3A_248 = vector.broadcast %sign3A : i32 to vector<16xi32>
      %sign3A_249 = arith.cmpi sgt, %add3A_246, %sign3A_248 : vector<16xi32>
      %sign3A_250 = arith.extui %sign3A_249 : vector<16xi1> to vector<16xi32>
      %sign3A_251 = arith.constant 0 : i32
      %sign3A_252 = vector.broadcast %sign3A_251 : i32 to vector<16xi32>
      %sign3A_253 = arith.cmpi slt, %add3A_246, %sign3A_252 : vector<16xi32>
      %sign3A_254 = arith.extui %sign3A_253 : vector<16xi1> to vector<16xi32>
      %sign3A_255 = arith.subi %sign3A_250, %sign3A_254 : vector<16xi32>
      %sign3A_256 = arith.constant 0 : i32
      %sign3A_257 = arith.cmpi sgt, %jit3A, %sign3A_256 : i32
      %sign3A_258 = arith.extui %sign3A_257 : i1 to i32
      %sign3A_259 = arith.constant 0 : i32
      %sign3A_260 = arith.cmpi slt, %jit3A, %sign3A_259 : i32
      %sign3A_261 = arith.extui %sign3A_260 : i1 to i32
      %sign3A_262 = arith.subi %sign3A_258, %sign3A_261 : i32
      %ne3A = vector.broadcast %sign3A_262 : i32 to vector<16xi32>
      %ne3A_263 = arith.cmpi ne, %sign3A_255, %ne3A : vector<16xi32>
      %rem3A = vector.broadcast %jit3A : i32 to vector<16xi32>
      %rem3A_264 = arith.remsi %add3A_246, %rem3A : vector<16xi32>
      %ne3A_265 = arith.constant 0 : i32
      %ne3A_266 = vector.broadcast %ne3A_265 : i32 to vector<16xi32>
      %ne3A_267 = arith.cmpi ne, %rem3A_264, %ne3A_266 : vector<16xi32>
      %and3A = arith.andi %ne3A_263, %ne3A_267 : vector<16xi1>
      %sub3A_268 = arith.constant 1 : i32
      %sub3A_269 = vector.broadcast %sub3A_268 : i32 to vector<16xi32>
      %sub3A_270 = arith.subi %div3A_247, %sub3A_269 : vector<16xi32>
      %select_n3A = arith.select %and3A, %sub3A_270, %div3A_247 : vector<16xi1>, vector<16xi32>
      %mul3A_271 = arith.constant 96 : i32
      %mul3A_272 = vector.broadcast %mul3A_271 : i32 to vector<16xi32>
      %mul3A_273 = arith.muli %select_n3A, %mul3A_272 : vector<16xi32>
      %sub3A_274 = arith.subi %add3A_246, %mul3A_273 : vector<16xi32>
      %get3A_275 = arith.index_cast %scan3A_240 : i32 to index
      %get3A_276 = arith.constant 0 : index
      %get3A_277 = tpu.vector_load %arg14[%get3A_275, %get3A_276] {strides = array<i32>} : memref<24x128xi32, #tpu.memory_space<vmem>>, vector<16xi32>,
      %gather3A_278 = tpu.vector_load_idx %arg12[%get3A_277] : memref<6400xi32, #tpu.memory_space<vmem>>[vector<16xi32>], vector<16xi32>,
      %gather3A_279 = tpu.vector_load_idx %arg18[%select_n3A] : memref<32xi32, #tpu.memory_space<vmem>>[vector<16xi32>], vector<16xi32>,
      %lt3A = arith.cmpi slt, %sub3A_274, %gather3A_279 : vector<16xi32>
      %mul3A_280 = arith.constant 32 : i32
      %mul3A_281 = arith.muli %arg1, %mul3A_280 : i32
      %add3A_282 = vector.broadcast %mul3A_281 : i32 to vector<16xi32>
      %add3A_283 = arith.addi %add3A_282, %select_n3A : vector<16xi32>
      %jit3A_284 = arith.constant 512 : i32
      %broadcast_in_dim3A_285 = vector.broadcast %jit3A_284 : i32 to vector<16xi32>
      %select_n3A_286 = arith.select %lt3A, %add3A_283, %broadcast_in_dim3A_285 : vector<16xi1>, vector<16xi32>
      %mul3A_287 = arith.constant 128 : i32
      %mul3A_288 = arith.muli %scan3A_240, %mul3A_287 : i32
      %add3A_289 = arith.constant 0 : i32
      %add3A_290 = arith.addi %mul3A_288, %add3A_289 : i32
      %swap3A_291 = arith.index_cast %add3A_290 : i32 to index
      %swap3A_292 = tpu.vector_load %arg19[%swap3A_291] {strides = array<i32>} : memref<3072xi32, #tpu.memory_space<vmem>>, vector<16xi32>,
      tpu.vector_store %arg19[%swap3A_291], %gather3A_278 {strides = array<i32>} : memref<3072xi32, #tpu.memory_space<vmem>>, vector<16xi32>,
      %mul3A_293 = arith.constant 128 : i32
      %mul3A_294 = arith.muli %scan3A_240, %mul3A_293 : i32
      %add3A_295 = arith.constant 0 : i32
      %add3A_296 = arith.addi %mul3A_294, %add3A_295 : i32
      %swap3A_297 = arith.index_cast %add3A_296 : i32 to index
      %swap3A_298 = tpu.vector_load %arg20[%swap3A_297] {strides = array<i32>} : memref<3072xi32, #tpu.memory_space<vmem>>, vector<16xi32>,
      tpu.vector_store %arg20[%swap3A_297], %select_n3A_286 {strides = array<i32>} : memref<3072xi32, #tpu.memory_space<vmem>>, vector<16xi32>,
      %mul3A_299 = arith.constant 128 : i32
      %mul3A_300 = arith.muli %scan3A_240, %mul3A_299 : i32
      %add3A_301 = arith.constant 16 : i32
      %add3A_302 = arith.addi %mul3A_300, %add3A_301 : i32
      %add3A_303 = vector.broadcast %add3A_302 : i32 to vector<16xi32>
      %add3A_304 = arith.addi %add3A_303, %iota3A : vector<16xi32>
      %jit3A_305 = arith.constant 96 : i32
      %div3A_306 = vector.broadcast %jit3A_305 : i32 to vector<16xi32>
      %div3A_307 = arith.divsi %add3A_304, %div3A_306 : vector<16xi32>
      %sign3A_308 = arith.constant 0 : i32
      %sign3A_309 = vector.broadcast %sign3A_308 : i32 to vector<16xi32>
      %sign3A_310 = arith.cmpi sgt, %add3A_304, %sign3A_309 : vector<16xi32>
      %sign3A_311 = arith.extui %sign3A_310 : vector<16xi1> to vector<16xi32>
      %sign3A_312 = arith.constant 0 : i32
      %sign3A_313 = vector.broadcast %sign3A_312 : i32 to vector<16xi32>
      %sign3A_314 = arith.cmpi slt, %add3A_304, %sign3A_313 : vector<16xi32>
      %sign3A_315 = arith.extui %sign3A_314 : vector<16xi1> to vector<16xi32>
      %sign3A_316 = arith.subi %sign3A_311, %sign3A_315 : vector<16xi32>
      %sign3A_317 = arith.constant 0 : i32
      %sign3A_318 = arith.cmpi sgt, %jit3A_305, %sign3A_317 : i32
      %sign3A_319 = arith.extui %sign3A_318 : i1 to i32
      %sign3A_320 = arith.constant 0 : i32
      %sign3A_321 = arith.cmpi slt, %jit3A_305, %sign3A_320 : i32
      %sign3A_322 = arith.extui %sign3A_321 : i1 to i32
      %sign3A_323 = arith.subi %sign3A_319, %sign3A_322 : i32
      %ne3A_324 = vector.broadcast %sign3A_323 : i32 to vector<16xi32>
      %ne3A_325 = arith.cmpi ne, %sign3A_316, %ne3A_324 : vector<16xi32>
      %rem3A_326 = vector.broadcast %jit3A_305 : i32 to vector<16xi32>
      %rem3A_327 = arith.remsi %add3A_304, %rem3A_326 : vector<16xi32>
      %ne3A_328 = arith.constant 0 : i32
      %ne3A_329 = vector.broadcast %ne3A_328 : i32 to vector<16xi32>
      %ne3A_330 = arith.cmpi ne, %rem3A_327, %ne3A_329 : vector<16xi32>
      %and3A_331 = arith.andi %ne3A_325, %ne3A_330 : vector<16xi1>
      %sub3A_332 = arith.constant 1 : i32
      %sub3A_333 = vector.broadcast %sub3A_332 : i32 to vector<16xi32>
      %sub3A_334 = arith.subi %div3A_307, %sub3A_333 : vector<16xi32>
      %select_n3A_335 = arith.select %and3A_331, %sub3A_334, %div3A_307 : vector<16xi1>, vector<16xi32>
      %mul3A_336 = arith.constant 96 : i32
      %mul3A_337 = vector.broadcast %mul3A_336 : i32 to vector<16xi32>
      %mul3A_338 = arith.muli %select_n3A_335, %mul3A_337 : vector<16xi32>
      %sub3A_339 = arith.subi %add3A_304, %mul3A_338 : vector<16xi32>
      %get3A_340 = arith.index_cast %scan3A_240 : i32 to index
      %get3A_341 = arith.constant 16 : index
      %get3A_342 = tpu.vector_load %arg14[%get3A_340, %get3A_341] {strides = array<i32>} : memref<24x128xi32, #tpu.memory_space<vmem>>, vector<16xi32>,
      %gather3A_343 = tpu.vector_load_idx %arg12[%get3A_342] : memref<6400xi32, #tpu.memory_space<vmem>>[vector<16xi32>], vector<16xi32>,
      %gather3A_344 = tpu.vector_load_idx %arg18[%select_n3A_335] : memref<32xi32, #tpu.memory_space<vmem>>[vector<16xi32>], vector<16xi32>,
      %lt3A_345 = arith.cmpi slt, %sub3A_339, %gather3A_344 : vector<16xi32>
      %mul3A_346 = arith.constant 32 : i32
      %mul3A_347 = arith.muli %arg1, %mul3A_346 : i32
      %add3A_348 = vector.broadcast %mul3A_347 : i32 to vector<16xi32>
      %add3A_349 = arith.addi %add3A_348, %select_n3A_335 : vector<16xi32>
      %jit3A_350 = arith.constant 512 : i32
      %broadcast_in_dim3A_351 = vector.broadcast %jit3A_350 : i32 to vector<16xi32>
      %select_n3A_352 = arith.select %lt3A_345, %add3A_349, %broadcast_in_dim3A_351 : vector<16xi1>, vector<16xi32>
      %mul3A_353 = arith.constant 128 : i32
      %mul3A_354 = arith.muli %scan3A_240, %mul3A_353 : i32
      %add3A_355 = arith.constant 16 : i32
      %add3A_356 = arith.addi %mul3A_354, %add3A_355 : i32
      %swap3A_357 = arith.index_cast %add3A_356 : i32 to index
      %swap3A_358 = tpu.vector_load %arg19[%swap3A_357] {strides = array<i32>} : memref<3072xi32, #tpu.memory_space<vmem>>, vector<16xi32>,
      tpu.vector_store %arg19[%swap3A_357], %gather3A_343 {strides = array<i32>} : memref<3072xi32, #tpu.memory_space<vmem>>, vector<16xi32>,
      %mul3A_359 = arith.constant 128 : i32
      %mul3A_360 = arith.muli %scan3A_240, %mul3A_359 : i32
      %add3A_361 = arith.constant 16 : i32
      %add3A_362 = arith.addi %mul3A_360, %add3A_361 : i32
      %swap3A_363 = arith.index_cast %add3A_362 : i32 to index
      %swap3A_364 = tpu.vector_load %arg20[%swap3A_363] {strides = array<i32>} : memref<3072xi32, #tpu.memory_space<vmem>>, vector<16xi32>,
      tpu.vector_store %arg20[%swap3A_363], %select_n3A_352 {strides = array<i32>} : memref<3072xi32, #tpu.memory_space<vmem>>, vector<16xi32>,
      %mul3A_365 = arith.constant 128 : i32
      %mul3A_366 = arith.muli %scan3A_240, %mul3A_365 : i32
      %add3A_367 = arith.constant 32 : i32
      %add3A_368 = arith.addi %mul3A_366, %add3A_367 : i32
      %add3A_369 = vector.broadcast %add3A_368 : i32 to vector<16xi32>
      %add3A_370 = arith.addi %add3A_369, %iota3A : vector<16xi32>
      %jit3A_371 = arith.constant 96 : i32
      %div3A_372 = vector.broadcast %jit3A_371 : i32 to vector<16xi32>
      %div3A_373 = arith.divsi %add3A_370, %div3A_372 : vector<16xi32>
      %sign3A_374 = arith.constant 0 : i32
      %sign3A_375 = vector.broadcast %sign3A_374 : i32 to vector<16xi32>
      %sign3A_376 = arith.cmpi sgt, %add3A_370, %sign3A_375 : vector<16xi32>
      %sign3A_377 = arith.extui %sign3A_376 : vector<16xi1> to vector<16xi32>
      %sign3A_378 = arith.constant 0 : i32
      %sign3A_379 = vector.broadcast %sign3A_378 : i32 to vector<16xi32>
      %sign3A_380 = arith.cmpi slt, %add3A_370, %sign3A_379 : vector<16xi32>
      %sign3A_381 = arith.extui %sign3A_380 : vector<16xi1> to vector<16xi32>
      %sign3A_382 = arith.subi %sign3A_377, %sign3A_381 : vector<16xi32>
      %sign3A_383 = arith.constant 0 : i32
      %sign3A_384 = arith.cmpi sgt, %jit3A_371, %sign3A_383 : i32
      %sign3A_385 = arith.extui %sign3A_384 : i1 to i32
      %sign3A_386 = arith.constant 0 : i32
      %sign3A_387 = arith.cmpi slt, %jit3A_371, %sign3A_386 : i32
      %sign3A_388 = arith.extui %sign3A_387 : i1 to i32
      %sign3A_389 = arith.subi %sign3A_385, %sign3A_388 : i32
      %ne3A_390 = vector.broadcast %sign3A_389 : i32 to vector<16xi32>
      %ne3A_391 = arith.cmpi ne, %sign3A_382, %ne3A_390 : vector<16xi32>
      %rem3A_392 = vector.broadcast %jit3A_371 : i32 to vector<16xi32>
      %rem3A_393 = arith.remsi %add3A_370, %rem3A_392 : vector<16xi32>
      %ne3A_394 = arith.constant 0 : i32
      %ne3A_395 = vector.broadcast %ne3A_394 : i32 to vector<16xi32>
      %ne3A_396 = arith.cmpi ne, %rem3A_393, %ne3A_395 : vector<16xi32>
      %and3A_397 = arith.andi %ne3A_391, %ne3A_396 : vector<16xi1>
      %sub3A_398 = arith.constant 1 : i32
      %sub3A_399 = vector.broadcast %sub3A_398 : i32 to vector<16xi32>
      %sub3A_400 = arith.subi %div3A_373, %sub3A_399 : vector<16xi32>
      %select_n3A_401 = arith.select %and3A_397, %sub3A_400, %div3A_373 : vector<16xi1>, vector<16xi32>
      %mul3A_402 = arith.constant 96 : i32
      %mul3A_403 = vector.broadcast %mul3A_402 : i32 to vector<16xi32>
      %mul3A_404 = arith.muli %select_n3A_401, %mul3A_403 : vector<16xi32>
      %sub3A_405 = arith.subi %add3A_370, %mul3A_404 : vector<16xi32>
      %get3A_406 = arith.index_cast %scan3A_240 : i32 to index
      %get3A_407 = arith.constant 32 : index
      %get3A_408 = tpu.vector_load %arg14[%get3A_406, %get3A_407] {strides = array<i32>} : memref<24x128xi32, #tpu.memory_space<vmem>>, vector<16xi32>,
      %gather3A_409 = tpu.vector_load_idx %arg12[%get3A_408] : memref<6400xi32, #tpu.memory_space<vmem>>[vector<16xi32>], vector<16xi32>,
      %gather3A_410 = tpu.vector_load_idx %arg18[%select_n3A_401] : memref<32xi32, #tpu.memory_space<vmem>>[vector<16xi32>], vector<16xi32>,
      %lt3A_411 = arith.cmpi slt, %sub3A_405, %gather3A_410 : vector<16xi32>
      %mul3A_412 = arith.constant 32 : i32
      %mul3A_413 = arith.muli %arg1, %mul3A_412 : i32
      %add3A_414 = vector.broadcast %mul3A_413 : i32 to vector<16xi32>
      %add3A_415 = arith.addi %add3A_414, %select_n3A_401 : vector<16xi32>
      %jit3A_416 = arith.constant 512 : i32
      %broadcast_in_dim3A_417 = vector.broadcast %jit3A_416 : i32 to vector<16xi32>
      %select_n3A_418 = arith.select %lt3A_411, %add3A_415, %broadcast_in_dim3A_417 : vector<16xi1>, vector<16xi32>
      %mul3A_419 = arith.constant 128 : i32
      %mul3A_420 = arith.muli %scan3A_240, %mul3A_419 : i32
      %add3A_421 = arith.constant 32 : i32
      %add3A_422 = arith.addi %mul3A_420, %add3A_421 : i32
      %swap3A_423 = arith.index_cast %add3A_422 : i32 to index
      %swap3A_424 = tpu.vector_load %arg19[%swap3A_423] {strides = array<i32>} : memref<3072xi32, #tpu.memory_space<vmem>>, vector<16xi32>,
      tpu.vector_store %arg19[%swap3A_423], %gather3A_409 {strides = array<i32>} : memref<3072xi32, #tpu.memory_space<vmem>>, vector<16xi32>,
      %mul3A_425 = arith.constant 128 : i32
      %mul3A_426 = arith.muli %scan3A_240, %mul3A_425 : i32
      %add3A_427 = arith.constant 32 : i32
      %add3A_428 = arith.addi %mul3A_426, %add3A_427 : i32
      %swap3A_429 = arith.index_cast %add3A_428 : i32 to index
      %swap3A_430 = tpu.vector_load %arg20[%swap3A_429] {strides = array<i32>} : memref<3072xi32, #tpu.memory_space<vmem>>, vector<16xi32>,
      tpu.vector_store %arg20[%swap3A_429], %select_n3A_418 {strides = array<i32>} : memref<3072xi32, #tpu.memory_space<vmem>>, vector<16xi32>,
      %mul3A_431 = arith.constant 128 : i32
      %mul3A_432 = arith.muli %scan3A_240, %mul3A_431 : i32
      %add3A_433 = arith.constant 48 : i32
      %add3A_434 = arith.addi %mul3A_432, %add3A_433 : i32
      %add3A_435 = vector.broadcast %add3A_434 : i32 to vector<16xi32>
      %add3A_436 = arith.addi %add3A_435, %iota3A : vector<16xi32>
      %jit3A_437 = arith.constant 96 : i32
      %div3A_438 = vector.broadcast %jit3A_437 : i32 to vector<16xi32>
      %div3A_439 = arith.divsi %add3A_436, %div3A_438 : vector<16xi32>
      %sign3A_440 = arith.constant 0 : i32
      %sign3A_441 = vector.broadcast %sign3A_440 : i32 to vector<16xi32>
      %sign3A_442 = arith.cmpi sgt, %add3A_436, %sign3A_441 : vector<16xi32>
      %sign3A_443 = arith.extui %sign3A_442 : vector<16xi1> to vector<16xi32>
      %sign3A_444 = arith.constant 0 : i32
      %sign3A_445 = vector.broadcast %sign3A_444 : i32 to vector<16xi32>
      %sign3A_446 = arith.cmpi slt, %add3A_436, %sign3A_445 : vector<16xi32>
      %sign3A_447 = arith.extui %sign3A_446 : vector<16xi1> to vector<16xi32>
      %sign3A_448 = arith.subi %sign3A_443, %sign3A_447 : vector<16xi32>
      %sign3A_449 = arith.constant 0 : i32
      %sign3A_450 = arith.cmpi sgt, %jit3A_437, %sign3A_449 : i32
      %sign3A_451 = arith.extui %sign3A_450 : i1 to i32
      %sign3A_452 = arith.constant 0 : i32
      %sign3A_453 = arith.cmpi slt, %jit3A_437, %sign3A_452 : i32
      %sign3A_454 = arith.extui %sign3A_453 : i1 to i32
      %sign3A_455 = arith.subi %sign3A_451, %sign3A_454 : i32
      %ne3A_456 = vector.broadcast %sign3A_455 : i32 to vector<16xi32>
      %ne3A_457 = arith.cmpi ne, %sign3A_448, %ne3A_456 : vector<16xi32>
      %rem3A_458 = vector.broadcast %jit3A_437 : i32 to vector<16xi32>
      %rem3A_459 = arith.remsi %add3A_436, %rem3A_458 : vector<16xi32>
      %ne3A_460 = arith.constant 0 : i32
      %ne3A_461 = vector.broadcast %ne3A_460 : i32 to vector<16xi32>
      %ne3A_462 = arith.cmpi ne, %rem3A_459, %ne3A_461 : vector<16xi32>
      %and3A_463 = arith.andi %ne3A_457, %ne3A_462 : vector<16xi1>
      %sub3A_464 = arith.constant 1 : i32
      %sub3A_465 = vector.broadcast %sub3A_464 : i32 to vector<16xi32>
      %sub3A_466 = arith.subi %div3A_439, %sub3A_465 : vector<16xi32>
      %select_n3A_467 = arith.select %and3A_463, %sub3A_466, %div3A_439 : vector<16xi1>, vector<16xi32>
      %mul3A_468 = arith.constant 96 : i32
      %mul3A_469 = vector.broadcast %mul3A_468 : i32 to vector<16xi32>
      %mul3A_470 = arith.muli %select_n3A_467, %mul3A_469 : vector<16xi32>
      %sub3A_471 = arith.subi %add3A_436, %mul3A_470 : vector<16xi32>
      %get3A_472 = arith.index_cast %scan3A_240 : i32 to index
      %get3A_473 = arith.constant 48 : index
      %get3A_474 = tpu.vector_load %arg14[%get3A_472, %get3A_473] {strides = array<i32>} : memref<24x128xi32, #tpu.memory_space<vmem>>, vector<16xi32>,
      %gather3A_475 = tpu.vector_load_idx %arg12[%get3A_474] : memref<6400xi32, #tpu.memory_space<vmem>>[vector<16xi32>], vector<16xi32>,
      %gather3A_476 = tpu.vector_load_idx %arg18[%select_n3A_467] : memref<32xi32, #tpu.memory_space<vmem>>[vector<16xi32>], vector<16xi32>,
      %lt3A_477 = arith.cmpi slt, %sub3A_471, %gather3A_476 : vector<16xi32>
      %mul3A_478 = arith.constant 32 : i32
      %mul3A_479 = arith.muli %arg1, %mul3A_478 : i32
      %add3A_480 = vector.broadcast %mul3A_479 : i32 to vector<16xi32>
      %add3A_481 = arith.addi %add3A_480, %select_n3A_467 : vector<16xi32>
      %jit3A_482 = arith.constant 512 : i32
      %broadcast_in_dim3A_483 = vector.broadcast %jit3A_482 : i32 to vector<16xi32>
      %select_n3A_484 = arith.select %lt3A_477, %add3A_481, %broadcast_in_dim3A_483 : vector<16xi1>, vector<16xi32>
      %mul3A_485 = arith.constant 128 : i32
      %mul3A_486 = arith.muli %scan3A_240, %mul3A_485 : i32
      %add3A_487 = arith.constant 48 : i32
      %add3A_488 = arith.addi %mul3A_486, %add3A_487 : i32
      %swap3A_489 = arith.index_cast %add3A_488 : i32 to index
      %swap3A_490 = tpu.vector_load %arg19[%swap3A_489] {strides = array<i32>} : memref<3072xi32, #tpu.memory_space<vmem>>, vector<16xi32>,
      tpu.vector_store %arg19[%swap3A_489], %gather3A_475 {strides = array<i32>} : memref<3072xi32, #tpu.memory_space<vmem>>, vector<16xi32>,
      %mul3A_491 = arith.constant 128 : i32
      %mul3A_492 = arith.muli %scan3A_240, %mul3A_491 : i32
      %add3A_493 = arith.constant 48 : i32
      %add3A_494 = arith.addi %mul3A_492, %add3A_493 : i32
      %swap3A_495 = arith.index_cast %add3A_494 : i32 to index
      %swap3A_496 = tpu.vector_load %arg20[%swap3A_495] {strides = array<i32>} : memref<3072xi32, #tpu.memory_space<vmem>>, vector<16xi32>,
      tpu.vector_store %arg20[%swap3A_495], %select_n3A_484 {strides = array<i32>} : memref<3072xi32, #tpu.memory_space<vmem>>, vector<16xi32>,
      %mul3A_497 = arith.constant 128 : i32
      %mul3A_498 = arith.muli %scan3A_240, %mul3A_497 : i32
      %add3A_499 = arith.constant 64 : i32
      %add3A_500 = arith.addi %mul3A_498, %add3A_499 : i32
      %add3A_501 = vector.broadcast %add3A_500 : i32 to vector<16xi32>
      %add3A_502 = arith.addi %add3A_501, %iota3A : vector<16xi32>
      %jit3A_503 = arith.constant 96 : i32
      %div3A_504 = vector.broadcast %jit3A_503 : i32 to vector<16xi32>
      %div3A_505 = arith.divsi %add3A_502, %div3A_504 : vector<16xi32>
      %sign3A_506 = arith.constant 0 : i32
      %sign3A_507 = vector.broadcast %sign3A_506 : i32 to vector<16xi32>
      %sign3A_508 = arith.cmpi sgt, %add3A_502, %sign3A_507 : vector<16xi32>
      %sign3A_509 = arith.extui %sign3A_508 : vector<16xi1> to vector<16xi32>
      %sign3A_510 = arith.constant 0 : i32
      %sign3A_511 = vector.broadcast %sign3A_510 : i32 to vector<16xi32>
      %sign3A_512 = arith.cmpi slt, %add3A_502, %sign3A_511 : vector<16xi32>
      %sign3A_513 = arith.extui %sign3A_512 : vector<16xi1> to vector<16xi32>
      %sign3A_514 = arith.subi %sign3A_509, %sign3A_513 : vector<16xi32>
      %sign3A_515 = arith.constant 0 : i32
      %sign3A_516 = arith.cmpi sgt, %jit3A_503, %sign3A_515 : i32
      %sign3A_517 = arith.extui %sign3A_516 : i1 to i32
      %sign3A_518 = arith.constant 0 : i32
      %sign3A_519 = arith.cmpi slt, %jit3A_503, %sign3A_518 : i32
      %sign3A_520 = arith.extui %sign3A_519 : i1 to i32
      %sign3A_521 = arith.subi %sign3A_517, %sign3A_520 : i32
      %ne3A_522 = vector.broadcast %sign3A_521 : i32 to vector<16xi32>
      %ne3A_523 = arith.cmpi ne, %sign3A_514, %ne3A_522 : vector<16xi32>
      %rem3A_524 = vector.broadcast %jit3A_503 : i32 to vector<16xi32>
      %rem3A_525 = arith.remsi %add3A_502, %rem3A_524 : vector<16xi32>
      %ne3A_526 = arith.constant 0 : i32
      %ne3A_527 = vector.broadcast %ne3A_526 : i32 to vector<16xi32>
      %ne3A_528 = arith.cmpi ne, %rem3A_525, %ne3A_527 : vector<16xi32>
      %and3A_529 = arith.andi %ne3A_523, %ne3A_528 : vector<16xi1>
      %sub3A_530 = arith.constant 1 : i32
      %sub3A_531 = vector.broadcast %sub3A_530 : i32 to vector<16xi32>
      %sub3A_532 = arith.subi %div3A_505, %sub3A_531 : vector<16xi32>
      %select_n3A_533 = arith.select %and3A_529, %sub3A_532, %div3A_505 : vector<16xi1>, vector<16xi32>
      %mul3A_534 = arith.constant 96 : i32
      %mul3A_535 = vector.broadcast %mul3A_534 : i32 to vector<16xi32>
      %mul3A_536 = arith.muli %select_n3A_533, %mul3A_535 : vector<16xi32>
      %sub3A_537 = arith.subi %add3A_502, %mul3A_536 : vector<16xi32>
      %get3A_538 = arith.index_cast %scan3A_240 : i32 to index
      %get3A_539 = arith.constant 64 : index
      %get3A_540 = tpu.vector_load %arg14[%get3A_538, %get3A_539] {strides = array<i32>} : memref<24x128xi32, #tpu.memory_space<vmem>>, vector<16xi32>,
      %gather3A_541 = tpu.vector_load_idx %arg12[%get3A_540] : memref<6400xi32, #tpu.memory_space<vmem>>[vector<16xi32>], vector<16xi32>,
      %gather3A_542 = tpu.vector_load_idx %arg18[%select_n3A_533] : memref<32xi32, #tpu.memory_space<vmem>>[vector<16xi32>], vector<16xi32>,
      %lt3A_543 = arith.cmpi slt, %sub3A_537, %gather3A_542 : vector<16xi32>
      %mul3A_544 = arith.constant 32 : i32
      %mul3A_545 = arith.muli %arg1, %mul3A_544 : i32
      %add3A_546 = vector.broadcast %mul3A_545 : i32 to vector<16xi32>
      %add3A_547 = arith.addi %add3A_546, %select_n3A_533 : vector<16xi32>
      %jit3A_548 = arith.constant 512 : i32
      %broadcast_in_dim3A_549 = vector.broadcast %jit3A_548 : i32 to vector<16xi32>
      %select_n3A_550 = arith.select %lt3A_543, %add3A_547, %broadcast_in_dim3A_549 : vector<16xi1>, vector<16xi32>
      %mul3A_551 = arith.constant 128 : i32
      %mul3A_552 = arith.muli %scan3A_240, %mul3A_551 : i32
      %add3A_553 = arith.constant 64 : i32
      %add3A_554 = arith.addi %mul3A_552, %add3A_553 : i32
      %swap3A_555 = arith.index_cast %add3A_554 : i32 to index
      %swap3A_556 = tpu.vector_load %arg19[%swap3A_555] {strides = array<i32>} : memref<3072xi32, #tpu.memory_space<vmem>>, vector<16xi32>,
      tpu.vector_store %arg19[%swap3A_555], %gather3A_541 {strides = array<i32>} : memref<3072xi32, #tpu.memory_space<vmem>>, vector<16xi32>,
      %mul3A_557 = arith.constant 128 : i32
      %mul3A_558 = arith.muli %scan3A_240, %mul3A_557 : i32
      %add3A_559 = arith.constant 64 : i32
      %add3A_560 = arith.addi %mul3A_558, %add3A_559 : i32
      %swap3A_561 = arith.index_cast %add3A_560 : i32 to index
      %swap3A_562 = tpu.vector_load %arg20[%swap3A_561] {strides = array<i32>} : memref<3072xi32, #tpu.memory_space<vmem>>, vector<16xi32>,
      tpu.vector_store %arg20[%swap3A_561], %select_n3A_550 {strides = array<i32>} : memref<3072xi32, #tpu.memory_space<vmem>>, vector<16xi32>,
      %mul3A_563 = arith.constant 128 : i32
      %mul3A_564 = arith.muli %scan3A_240, %mul3A_563 : i32
      %add3A_565 = arith.constant 80 : i32
      %add3A_566 = arith.addi %mul3A_564, %add3A_565 : i32
      %add3A_567 = vector.broadcast %add3A_566 : i32 to vector<16xi32>
      %add3A_568 = arith.addi %add3A_567, %iota3A : vector<16xi32>
      %jit3A_569 = arith.constant 96 : i32
      %div3A_570 = vector.broadcast %jit3A_569 : i32 to vector<16xi32>
      %div3A_571 = arith.divsi %add3A_568, %div3A_570 : vector<16xi32>
      %sign3A_572 = arith.constant 0 : i32
      %sign3A_573 = vector.broadcast %sign3A_572 : i32 to vector<16xi32>
      %sign3A_574 = arith.cmpi sgt, %add3A_568, %sign3A_573 : vector<16xi32>
      %sign3A_575 = arith.extui %sign3A_574 : vector<16xi1> to vector<16xi32>
      %sign3A_576 = arith.constant 0 : i32
      %sign3A_577 = vector.broadcast %sign3A_576 : i32 to vector<16xi32>
      %sign3A_578 = arith.cmpi slt, %add3A_568, %sign3A_577 : vector<16xi32>
      %sign3A_579 = arith.extui %sign3A_578 : vector<16xi1> to vector<16xi32>
      %sign3A_580 = arith.subi %sign3A_575, %sign3A_579 : vector<16xi32>
      %sign3A_581 = arith.constant 0 : i32
      %sign3A_582 = arith.cmpi sgt, %jit3A_569, %sign3A_581 : i32
      %sign3A_583 = arith.extui %sign3A_582 : i1 to i32
      %sign3A_584 = arith.constant 0 : i32
      %sign3A_585 = arith.cmpi slt, %jit3A_569, %sign3A_584 : i32
      %sign3A_586 = arith.extui %sign3A_585 : i1 to i32
      %sign3A_587 = arith.subi %sign3A_583, %sign3A_586 : i32
      %ne3A_588 = vector.broadcast %sign3A_587 : i32 to vector<16xi32>
      %ne3A_589 = arith.cmpi ne, %sign3A_580, %ne3A_588 : vector<16xi32>
      %rem3A_590 = vector.broadcast %jit3A_569 : i32 to vector<16xi32>
      %rem3A_591 = arith.remsi %add3A_568, %rem3A_590 : vector<16xi32>
      %ne3A_592 = arith.constant 0 : i32
      %ne3A_593 = vector.broadcast %ne3A_592 : i32 to vector<16xi32>
      %ne3A_594 = arith.cmpi ne, %rem3A_591, %ne3A_593 : vector<16xi32>
      %and3A_595 = arith.andi %ne3A_589, %ne3A_594 : vector<16xi1>
      %sub3A_596 = arith.constant 1 : i32
      %sub3A_597 = vector.broadcast %sub3A_596 : i32 to vector<16xi32>
      %sub3A_598 = arith.subi %div3A_571, %sub3A_597 : vector<16xi32>
      %select_n3A_599 = arith.select %and3A_595, %sub3A_598, %div3A_571 : vector<16xi1>, vector<16xi32>
      %mul3A_600 = arith.constant 96 : i32
      %mul3A_601 = vector.broadcast %mul3A_600 : i32 to vector<16xi32>
      %mul3A_602 = arith.muli %select_n3A_599, %mul3A_601 : vector<16xi32>
      %sub3A_603 = arith.subi %add3A_568, %mul3A_602 : vector<16xi32>
      %get3A_604 = arith.index_cast %scan3A_240 : i32 to index
      %get3A_605 = arith.constant 80 : index
      %get3A_606 = tpu.vector_load %arg14[%get3A_604, %get3A_605] {strides = array<i32>} : memref<24x128xi32, #tpu.memory_space<vmem>>, vector<16xi32>,
      %gather3A_607 = tpu.vector_load_idx %arg12[%get3A_606] : memref<6400xi32, #tpu.memory_space<vmem>>[vector<16xi32>], vector<16xi32>,
      %gather3A_608 = tpu.vector_load_idx %arg18[%select_n3A_599] : memref<32xi32, #tpu.memory_space<vmem>>[vector<16xi32>], vector<16xi32>,
      %lt3A_609 = arith.cmpi slt, %sub3A_603, %gather3A_608 : vector<16xi32>
      %mul3A_610 = arith.constant 32 : i32
      %mul3A_611 = arith.muli %arg1, %mul3A_610 : i32
      %add3A_612 = vector.broadcast %mul3A_611 : i32 to vector<16xi32>
      %add3A_613 = arith.addi %add3A_612, %select_n3A_599 : vector<16xi32>
      %jit3A_614 = arith.constant 512 : i32
      %broadcast_in_dim3A_615 = vector.broadcast %jit3A_614 : i32 to vector<16xi32>
      %select_n3A_616 = arith.select %lt3A_609, %add3A_613, %broadcast_in_dim3A_615 : vector<16xi1>, vector<16xi32>
      %mul3A_617 = arith.constant 128 : i32
      %mul3A_618 = arith.muli %scan3A_240, %mul3A_617 : i32
      %add3A_619 = arith.constant 80 : i32
      %add3A_620 = arith.addi %mul3A_618, %add3A_619 : i32
      %swap3A_621 = arith.index_cast %add3A_620 : i32 to index
      %swap3A_622 = tpu.vector_load %arg19[%swap3A_621] {strides = array<i32>} : memref<3072xi32, #tpu.memory_space<vmem>>, vector<16xi32>,
      tpu.vector_store %arg19[%swap3A_621], %gather3A_607 {strides = array<i32>} : memref<3072xi32, #tpu.memory_space<vmem>>, vector<16xi32>,
      %mul3A_623 = arith.constant 128 : i32
      %mul3A_624 = arith.muli %scan3A_240, %mul3A_623 : i32
      %add3A_625 = arith.constant 80 : i32
      %add3A_626 = arith.addi %mul3A_624, %add3A_625 : i32
      %swap3A_627 = arith.index_cast %add3A_626 : i32 to index
      %swap3A_628 = tpu.vector_load %arg20[%swap3A_627] {strides = array<i32>} : memref<3072xi32, #tpu.memory_space<vmem>>, vector<16xi32>,
      tpu.vector_store %arg20[%swap3A_627], %select_n3A_616 {strides = array<i32>} : memref<3072xi32, #tpu.memory_space<vmem>>, vector<16xi32>,
      %mul3A_629 = arith.constant 128 : i32
      %mul3A_630 = arith.muli %scan3A_240, %mul3A_629 : i32
      %add3A_631 = arith.constant 96 : i32
      %add3A_632 = arith.addi %mul3A_630, %add3A_631 : i32
      %add3A_633 = vector.broadcast %add3A_632 : i32 to vector<16xi32>
      %add3A_634 = arith.addi %add3A_633, %iota3A : vector<16xi32>
      %jit3A_635 = arith.constant 96 : i32
      %div3A_636 = vector.broadcast %jit3A_635 : i32 to vector<16xi32>
      %div3A_637 = arith.divsi %add3A_634, %div3A_636 : vector<16xi32>
      %sign3A_638 = arith.constant 0 : i32
      %sign3A_639 = vector.broadcast %sign3A_638 : i32 to vector<16xi32>
      %sign3A_640 = arith.cmpi sgt, %add3A_634, %sign3A_639 : vector<16xi32>
      %sign3A_641 = arith.extui %sign3A_640 : vector<16xi1> to vector<16xi32>
      %sign3A_642 = arith.constant 0 : i32
      %sign3A_643 = vector.broadcast %sign3A_642 : i32 to vector<16xi32>
      %sign3A_644 = arith.cmpi slt, %add3A_634, %sign3A_643 : vector<16xi32>
      %sign3A_645 = arith.extui %sign3A_644 : vector<16xi1> to vector<16xi32>
      %sign3A_646 = arith.subi %sign3A_641, %sign3A_645 : vector<16xi32>
      %sign3A_647 = arith.constant 0 : i32
      %sign3A_648 = arith.cmpi sgt, %jit3A_635, %sign3A_647 : i32
      %sign3A_649 = arith.extui %sign3A_648 : i1 to i32
      %sign3A_650 = arith.constant 0 : i32
      %sign3A_651 = arith.cmpi slt, %jit3A_635, %sign3A_650 : i32
      %sign3A_652 = arith.extui %sign3A_651 : i1 to i32
      %sign3A_653 = arith.subi %sign3A_649, %sign3A_652 : i32
      %ne3A_654 = vector.broadcast %sign3A_653 : i32 to vector<16xi32>
      %ne3A_655 = arith.cmpi ne, %sign3A_646, %ne3A_654 : vector<16xi32>
      %rem3A_656 = vector.broadcast %jit3A_635 : i32 to vector<16xi32>
      %rem3A_657 = arith.remsi %add3A_634, %rem3A_656 : vector<16xi32>
      %ne3A_658 = arith.constant 0 : i32
      %ne3A_659 = vector.broadcast %ne3A_658 : i32 to vector<16xi32>
      %ne3A_660 = arith.cmpi ne, %rem3A_657, %ne3A_659 : vector<16xi32>
      %and3A_661 = arith.andi %ne3A_655, %ne3A_660 : vector<16xi1>
      %sub3A_662 = arith.constant 1 : i32
      %sub3A_663 = vector.broadcast %sub3A_662 : i32 to vector<16xi32>
      %sub3A_664 = arith.subi %div3A_637, %sub3A_663 : vector<16xi32>
      %select_n3A_665 = arith.select %and3A_661, %sub3A_664, %div3A_637 : vector<16xi1>, vector<16xi32>
      %mul3A_666 = arith.constant 96 : i32
      %mul3A_667 = vector.broadcast %mul3A_666 : i32 to vector<16xi32>
      %mul3A_668 = arith.muli %select_n3A_665, %mul3A_667 : vector<16xi32>
      %sub3A_669 = arith.subi %add3A_634, %mul3A_668 : vector<16xi32>
      %get3A_670 = arith.index_cast %scan3A_240 : i32 to index
      %get3A_671 = arith.constant 96 : index
      %get3A_672 = tpu.vector_load %arg14[%get3A_670, %get3A_671] {strides = array<i32>} : memref<24x128xi32, #tpu.memory_space<vmem>>, vector<16xi32>,
      %gather3A_673 = tpu.vector_load_idx %arg12[%get3A_672] : memref<6400xi32, #tpu.memory_space<vmem>>[vector<16xi32>], vector<16xi32>,
      %gather3A_674 = tpu.vector_load_idx %arg18[%select_n3A_665] : memref<32xi32, #tpu.memory_space<vmem>>[vector<16xi32>], vector<16xi32>,
      %lt3A_675 = arith.cmpi slt, %sub3A_669, %gather3A_674 : vector<16xi32>
      %mul3A_676 = arith.constant 32 : i32
      %mul3A_677 = arith.muli %arg1, %mul3A_676 : i32
      %add3A_678 = vector.broadcast %mul3A_677 : i32 to vector<16xi32>
      %add3A_679 = arith.addi %add3A_678, %select_n3A_665 : vector<16xi32>
      %jit3A_680 = arith.constant 512 : i32
      %broadcast_in_dim3A_681 = vector.broadcast %jit3A_680 : i32 to vector<16xi32>
      %select_n3A_682 = arith.select %lt3A_675, %add3A_679, %broadcast_in_dim3A_681 : vector<16xi1>, vector<16xi32>
      %mul3A_683 = arith.constant 128 : i32
      %mul3A_684 = arith.muli %scan3A_240, %mul3A_683 : i32
      %add3A_685 = arith.constant 96 : i32
      %add3A_686 = arith.addi %mul3A_684, %add3A_685 : i32
      %swap3A_687 = arith.index_cast %add3A_686 : i32 to index
      %swap3A_688 = tpu.vector_load %arg19[%swap3A_687] {strides = array<i32>} : memref<3072xi32, #tpu.memory_space<vmem>>, vector<16xi32>,
      tpu.vector_store %arg19[%swap3A_687], %gather3A_673 {strides = array<i32>} : memref<3072xi32, #tpu.memory_space<vmem>>, vector<16xi32>,
      %mul3A_689 = arith.constant 128 : i32
      %mul3A_690 = arith.muli %scan3A_240, %mul3A_689 : i32
      %add3A_691 = arith.constant 96 : i32
      %add3A_692 = arith.addi %mul3A_690, %add3A_691 : i32
      %swap3A_693 = arith.index_cast %add3A_692 : i32 to index
      %swap3A_694 = tpu.vector_load %arg20[%swap3A_693] {strides = array<i32>} : memref<3072xi32, #tpu.memory_space<vmem>>, vector<16xi32>,
      tpu.vector_store %arg20[%swap3A_693], %select_n3A_682 {strides = array<i32>} : memref<3072xi32, #tpu.memory_space<vmem>>, vector<16xi32>,
      %mul3A_695 = arith.constant 128 : i32
      %mul3A_696 = arith.muli %scan3A_240, %mul3A_695 : i32
      %add3A_697 = arith.constant 112 : i32
      %add3A_698 = arith.addi %mul3A_696, %add3A_697 : i32
      %add3A_699 = vector.broadcast %add3A_698 : i32 to vector<16xi32>
      %add3A_700 = arith.addi %add3A_699, %iota3A : vector<16xi32>
      %jit3A_701 = arith.constant 96 : i32
      %div3A_702 = vector.broadcast %jit3A_701 : i32 to vector<16xi32>
      %div3A_703 = arith.divsi %add3A_700, %div3A_702 : vector<16xi32>
      %sign3A_704 = arith.constant 0 : i32
      %sign3A_705 = vector.broadcast %sign3A_704 : i32 to vector<16xi32>
      %sign3A_706 = arith.cmpi sgt, %add3A_700, %sign3A_705 : vector<16xi32>
      %sign3A_707 = arith.extui %sign3A_706 : vector<16xi1> to vector<16xi32>
      %sign3A_708 = arith.constant 0 : i32
      %sign3A_709 = vector.broadcast %sign3A_708 : i32 to vector<16xi32>
      %sign3A_710 = arith.cmpi slt, %add3A_700, %sign3A_709 : vector<16xi32>
      %sign3A_711 = arith.extui %sign3A_710 : vector<16xi1> to vector<16xi32>
      %sign3A_712 = arith.subi %sign3A_707, %sign3A_711 : vector<16xi32>
      %sign3A_713 = arith.constant 0 : i32
      %sign3A_714 = arith.cmpi sgt, %jit3A_701, %sign3A_713 : i32
      %sign3A_715 = arith.extui %sign3A_714 : i1 to i32
      %sign3A_716 = arith.constant 0 : i32
      %sign3A_717 = arith.cmpi slt, %jit3A_701, %sign3A_716 : i32
      %sign3A_718 = arith.extui %sign3A_717 : i1 to i32
      %sign3A_719 = arith.subi %sign3A_715, %sign3A_718 : i32
      %ne3A_720 = vector.broadcast %sign3A_719 : i32 to vector<16xi32>
      %ne3A_721 = arith.cmpi ne, %sign3A_712, %ne3A_720 : vector<16xi32>
      %rem3A_722 = vector.broadcast %jit3A_701 : i32 to vector<16xi32>
      %rem3A_723 = arith.remsi %add3A_700, %rem3A_722 : vector<16xi32>
      %ne3A_724 = arith.constant 0 : i32
      %ne3A_725 = vector.broadcast %ne3A_724 : i32 to vector<16xi32>
      %ne3A_726 = arith.cmpi ne, %rem3A_723, %ne3A_725 : vector<16xi32>
      %and3A_727 = arith.andi %ne3A_721, %ne3A_726 : vector<16xi1>
      %sub3A_728 = arith.constant 1 : i32
      %sub3A_729 = vector.broadcast %sub3A_728 : i32 to vector<16xi32>
      %sub3A_730 = arith.subi %div3A_703, %sub3A_729 : vector<16xi32>
      %select_n3A_731 = arith.select %and3A_727, %sub3A_730, %div3A_703 : vector<16xi1>, vector<16xi32>
      %mul3A_732 = arith.constant 96 : i32
      %mul3A_733 = vector.broadcast %mul3A_732 : i32 to vector<16xi32>
      %mul3A_734 = arith.muli %select_n3A_731, %mul3A_733 : vector<16xi32>
      %sub3A_735 = arith.subi %add3A_700, %mul3A_734 : vector<16xi32>
      %get3A_736 = arith.index_cast %scan3A_240 : i32 to index
      %get3A_737 = arith.constant 112 : index
      %get3A_738 = tpu.vector_load %arg14[%get3A_736, %get3A_737] {strides = array<i32>} : memref<24x128xi32, #tpu.memory_space<vmem>>, vector<16xi32>,
      %gather3A_739 = tpu.vector_load_idx %arg12[%get3A_738] : memref<6400xi32, #tpu.memory_space<vmem>>[vector<16xi32>], vector<16xi32>,
      %gather3A_740 = tpu.vector_load_idx %arg18[%select_n3A_731] : memref<32xi32, #tpu.memory_space<vmem>>[vector<16xi32>], vector<16xi32>,
      %lt3A_741 = arith.cmpi slt, %sub3A_735, %gather3A_740 : vector<16xi32>
      %mul3A_742 = arith.constant 32 : i32
      %mul3A_743 = arith.muli %arg1, %mul3A_742 : i32
      %add3A_744 = vector.broadcast %mul3A_743 : i32 to vector<16xi32>
      %add3A_745 = arith.addi %add3A_744, %select_n3A_731 : vector<16xi32>
      %jit3A_746 = arith.constant 512 : i32
      %broadcast_in_dim3A_747 = vector.broadcast %jit3A_746 : i32 to vector<16xi32>
      %select_n3A_748 = arith.select %lt3A_741, %add3A_745, %broadcast_in_dim3A_747 : vector<16xi1>, vector<16xi32>
      %mul3A_749 = arith.constant 128 : i32
      %mul3A_750 = arith.muli %scan3A_240, %mul3A_749 : i32
      %add3A_751 = arith.constant 112 : i32
      %add3A_752 = arith.addi %mul3A_750, %add3A_751 : i32
      %swap3A_753 = arith.index_cast %add3A_752 : i32 to index
      %swap3A_754 = tpu.vector_load %arg19[%swap3A_753] {strides = array<i32>} : memref<3072xi32, #tpu.memory_space<vmem>>, vector<16xi32>,
      tpu.vector_store %arg19[%swap3A_753], %gather3A_739 {strides = array<i32>} : memref<3072xi32, #tpu.memory_space<vmem>>, vector<16xi32>,
      %mul3A_755 = arith.constant 128 : i32
      %mul3A_756 = arith.muli %scan3A_240, %mul3A_755 : i32
      %add3A_757 = arith.constant 112 : i32
      %add3A_758 = arith.addi %mul3A_756, %add3A_757 : i32
      %swap3A_759 = arith.index_cast %add3A_758 : i32 to index
      %swap3A_760 = tpu.vector_load %arg20[%swap3A_759] {strides = array<i32>} : memref<3072xi32, #tpu.memory_space<vmem>>, vector<16xi32>,
      tpu.vector_store %arg20[%swap3A_759], %select_n3A_748 {strides = array<i32>} : memref<3072xi32, #tpu.memory_space<vmem>>, vector<16xi32>,
    }
    %scan3A_50 = arith.constant 24 : i32
    %scan3A_51 = arith.constant 0 : i32
    %scan3A_52 = arith.constant 0 : i32
    %scan3A_53 = arith.constant 12 : i32
    %scan3A_54 = arith.addi %scan3A_52, %scan3A_53 : i32
    %scan3A_55 = arith.constant 1 : i32
    scf.for %scan3A_240 = %scan3A_52 to %scan3A_54 step %scan3A_55  : i32 {
      %mul3A_241 = arith.constant 128 : i32
      %mul3A_242 = arith.muli %scan3A_240, %mul3A_241 : i32
      %add3A_243 = arith.constant 0 : i32
      %add3A_244 = arith.addi %mul3A_242, %add3A_243 : i32
      %add3A_245 = vector.broadcast %add3A_244 : i32 to vector<16xi32>
      %add3A_246 = arith.addi %add3A_245, %iota3A : vector<16xi32>
      %jit3A = arith.constant 48 : i32
      %div3A = vector.broadcast %jit3A : i32 to vector<16xi32>
      %div3A_247 = arith.divsi %add3A_246, %div3A : vector<16xi32>
      %sign3A = arith.constant 0 : i32
      %sign3A_248 = vector.broadcast %sign3A : i32 to vector<16xi32>
      %sign3A_249 = arith.cmpi sgt, %add3A_246, %sign3A_248 : vector<16xi32>
      %sign3A_250 = arith.extui %sign3A_249 : vector<16xi1> to vector<16xi32>
      %sign3A_251 = arith.constant 0 : i32
      %sign3A_252 = vector.broadcast %sign3A_251 : i32 to vector<16xi32>
      %sign3A_253 = arith.cmpi slt, %add3A_246, %sign3A_252 : vector<16xi32>
      %sign3A_254 = arith.extui %sign3A_253 : vector<16xi1> to vector<16xi32>
      %sign3A_255 = arith.subi %sign3A_250, %sign3A_254 : vector<16xi32>
      %sign3A_256 = arith.constant 0 : i32
      %sign3A_257 = arith.cmpi sgt, %jit3A, %sign3A_256 : i32
      %sign3A_258 = arith.extui %sign3A_257 : i1 to i32
      %sign3A_259 = arith.constant 0 : i32
      %sign3A_260 = arith.cmpi slt, %jit3A, %sign3A_259 : i32
      %sign3A_261 = arith.extui %sign3A_260 : i1 to i32
      %sign3A_262 = arith.subi %sign3A_258, %sign3A_261 : i32
      %ne3A = vector.broadcast %sign3A_262 : i32 to vector<16xi32>
      %ne3A_263 = arith.cmpi ne, %sign3A_255, %ne3A : vector<16xi32>
      %rem3A = vector.broadcast %jit3A : i32 to vector<16xi32>
      %rem3A_264 = arith.remsi %add3A_246, %rem3A : vector<16xi32>
      %ne3A_265 = arith.constant 0 : i32
      %ne3A_266 = vector.broadcast %ne3A_265 : i32 to vector<16xi32>
      %ne3A_267 = arith.cmpi ne, %rem3A_264, %ne3A_266 : vector<16xi32>
      %and3A = arith.andi %ne3A_263, %ne3A_267 : vector<16xi1>
      %sub3A_268 = arith.constant 1 : i32
      %sub3A_269 = vector.broadcast %sub3A_268 : i32 to vector<16xi32>
      %sub3A_270 = arith.subi %div3A_247, %sub3A_269 : vector<16xi32>
      %select_n3A = arith.select %and3A, %sub3A_270, %div3A_247 : vector<16xi1>, vector<16xi32>
      %mul3A_271 = arith.constant 48 : i32
      %mul3A_272 = vector.broadcast %mul3A_271 : i32 to vector<16xi32>
      %mul3A_273 = arith.muli %select_n3A, %mul3A_272 : vector<16xi32>
      %sub3A_274 = arith.subi %add3A_246, %mul3A_273 : vector<16xi32>
      %gather3A_275 = tpu.vector_load_idx %arg16[%select_n3A] : memref<32xi32, #tpu.memory_space<vmem>>[vector<16xi32>], vector<16xi32>,
      %gather3A_276 = tpu.vector_load_idx %arg17[%select_n3A] : memref<32xi32, #tpu.memory_space<vmem>>[vector<16xi32>], vector<16xi32>,
      %add3A_277 = arith.addi %gather3A_275, %sub3A_274 : vector<16xi32>
      %min3A = arith.constant 199 : i32
      %min3A_278 = vector.broadcast %min3A : i32 to vector<16xi32>
      %min3A_279 = arith.minsi %add3A_277, %min3A_278 : vector<16xi32>
      %mul3A_280 = arith.constant 200 : i32
      %mul3A_281 = vector.broadcast %mul3A_280 : i32 to vector<16xi32>
      %mul3A_282 = arith.muli %select_n3A, %mul3A_281 : vector<16xi32>
      %add3A_283 = arith.addi %mul3A_282, %min3A_279 : vector<16xi32>
      %gather3A_284 = tpu.vector_load_idx %arg12[%add3A_283] : memref<6400xi32, #tpu.memory_space<vmem>>[vector<16xi32>], vector<16xi32>,
      %lt3A = arith.cmpi slt, %sub3A_274, %gather3A_276 : vector<16xi32>
      %mul3A_285 = arith.constant 32 : i32
      %mul3A_286 = arith.muli %arg1, %mul3A_285 : i32
      %add3A_287 = vector.broadcast %mul3A_286 : i32 to vector<16xi32>
      %add3A_288 = arith.addi %add3A_287, %select_n3A : vector<16xi32>
      %jit3A_289 = arith.constant 512 : i32
      %broadcast_in_dim3A_290 = vector.broadcast %jit3A_289 : i32 to vector<16xi32>
      %select_n3A_291 = arith.select %lt3A, %add3A_288, %broadcast_in_dim3A_290 : vector<16xi1>, vector<16xi32>
      %mul3A_292 = arith.constant 128 : i32
      %mul3A_293 = arith.muli %scan3A_240, %mul3A_292 : i32
      %add3A_294 = arith.constant 0 : i32
      %add3A_295 = arith.addi %mul3A_293, %add3A_294 : i32
      %swap3A_296 = arith.index_cast %add3A_295 : i32 to index
      %swap3A_297 = tpu.vector_load %arg21[%swap3A_296] {strides = array<i32>} : memref<1536xi32, #tpu.memory_space<vmem>>, vector<16xi32>,
      tpu.vector_store %arg21[%swap3A_296], %gather3A_284 {strides = array<i32>} : memref<1536xi32, #tpu.memory_space<vmem>>, vector<16xi32>,
      %mul3A_298 = arith.constant 128 : i32
      %mul3A_299 = arith.muli %scan3A_240, %mul3A_298 : i32
      %add3A_300 = arith.constant 0 : i32
      %add3A_301 = arith.addi %mul3A_299, %add3A_300 : i32
      %swap3A_302 = arith.index_cast %add3A_301 : i32 to index
      %swap3A_303 = tpu.vector_load %arg22[%swap3A_302] {strides = array<i32>} : memref<1536xi32, #tpu.memory_space<vmem>>, vector<16xi32>,
      tpu.vector_store %arg22[%swap3A_302], %select_n3A_291 {strides = array<i32>} : memref<1536xi32, #tpu.memory_space<vmem>>, vector<16xi32>,
      %mul3A_304 = arith.constant 128 : i32
      %mul3A_305 = arith.muli %scan3A_240, %mul3A_304 : i32
      %add3A_306 = arith.constant 16 : i32
      %add3A_307 = arith.addi %mul3A_305, %add3A_306 : i32
      %add3A_308 = vector.broadcast %add3A_307 : i32 to vector<16xi32>
      %add3A_309 = arith.addi %add3A_308, %iota3A : vector<16xi32>
      %jit3A_310 = arith.constant 48 : i32
      %div3A_311 = vector.broadcast %jit3A_310 : i32 to vector<16xi32>
      %div3A_312 = arith.divsi %add3A_309, %div3A_311 : vector<16xi32>
      %sign3A_313 = arith.constant 0 : i32
      %sign3A_314 = vector.broadcast %sign3A_313 : i32 to vector<16xi32>
      %sign3A_315 = arith.cmpi sgt, %add3A_309, %sign3A_314 : vector<16xi32>
      %sign3A_316 = arith.extui %sign3A_315 : vector<16xi1> to vector<16xi32>
      %sign3A_317 = arith.constant 0 : i32
      %sign3A_318 = vector.broadcast %sign3A_317 : i32 to vector<16xi32>
      %sign3A_319 = arith.cmpi slt, %add3A_309, %sign3A_318 : vector<16xi32>
      %sign3A_320 = arith.extui %sign3A_319 : vector<16xi1> to vector<16xi32>
      %sign3A_321 = arith.subi %sign3A_316, %sign3A_320 : vector<16xi32>
      %sign3A_322 = arith.constant 0 : i32
      %sign3A_323 = arith.cmpi sgt, %jit3A_310, %sign3A_322 : i32
      %sign3A_324 = arith.extui %sign3A_323 : i1 to i32
      %sign3A_325 = arith.constant 0 : i32
      %sign3A_326 = arith.cmpi slt, %jit3A_310, %sign3A_325 : i32
      %sign3A_327 = arith.extui %sign3A_326 : i1 to i32
      %sign3A_328 = arith.subi %sign3A_324, %sign3A_327 : i32
      %ne3A_329 = vector.broadcast %sign3A_328 : i32 to vector<16xi32>
      %ne3A_330 = arith.cmpi ne, %sign3A_321, %ne3A_329 : vector<16xi32>
      %rem3A_331 = vector.broadcast %jit3A_310 : i32 to vector<16xi32>
      %rem3A_332 = arith.remsi %add3A_309, %rem3A_331 : vector<16xi32>
      %ne3A_333 = arith.constant 0 : i32
      %ne3A_334 = vector.broadcast %ne3A_333 : i32 to vector<16xi32>
      %ne3A_335 = arith.cmpi ne, %rem3A_332, %ne3A_334 : vector<16xi32>
      %and3A_336 = arith.andi %ne3A_330, %ne3A_335 : vector<16xi1>
      %sub3A_337 = arith.constant 1 : i32
      %sub3A_338 = vector.broadcast %sub3A_337 : i32 to vector<16xi32>
      %sub3A_339 = arith.subi %div3A_312, %sub3A_338 : vector<16xi32>
      %select_n3A_340 = arith.select %and3A_336, %sub3A_339, %div3A_312 : vector<16xi1>, vector<16xi32>
      %mul3A_341 = arith.constant 48 : i32
      %mul3A_342 = vector.broadcast %mul3A_341 : i32 to vector<16xi32>
      %mul3A_343 = arith.muli %select_n3A_340, %mul3A_342 : vector<16xi32>
      %sub3A_344 = arith.subi %add3A_309, %mul3A_343 : vector<16xi32>
      %gather3A_345 = tpu.vector_load_idx %arg16[%select_n3A_340] : memref<32xi32, #tpu.memory_space<vmem>>[vector<16xi32>], vector<16xi32>,
      %gather3A_346 = tpu.vector_load_idx %arg17[%select_n3A_340] : memref<32xi32, #tpu.memory_space<vmem>>[vector<16xi32>], vector<16xi32>,
      %add3A_347 = arith.addi %gather3A_345, %sub3A_344 : vector<16xi32>
      %min3A_348 = arith.constant 199 : i32
      %min3A_349 = vector.broadcast %min3A_348 : i32 to vector<16xi32>
      %min3A_350 = arith.minsi %add3A_347, %min3A_349 : vector<16xi32>
      %mul3A_351 = arith.constant 200 : i32
      %mul3A_352 = vector.broadcast %mul3A_351 : i32 to vector<16xi32>
      %mul3A_353 = arith.muli %select_n3A_340, %mul3A_352 : vector<16xi32>
      %add3A_354 = arith.addi %mul3A_353, %min3A_350 : vector<16xi32>
      %gather3A_355 = tpu.vector_load_idx %arg12[%add3A_354] : memref<6400xi32, #tpu.memory_space<vmem>>[vector<16xi32>], vector<16xi32>,
      %lt3A_356 = arith.cmpi slt, %sub3A_344, %gather3A_346 : vector<16xi32>
      %mul3A_357 = arith.constant 32 : i32
      %mul3A_358 = arith.muli %arg1, %mul3A_357 : i32
      %add3A_359 = vector.broadcast %mul3A_358 : i32 to vector<16xi32>
      %add3A_360 = arith.addi %add3A_359, %select_n3A_340 : vector<16xi32>
      %jit3A_361 = arith.constant 512 : i32
      %broadcast_in_dim3A_362 = vector.broadcast %jit3A_361 : i32 to vector<16xi32>
      %select_n3A_363 = arith.select %lt3A_356, %add3A_360, %broadcast_in_dim3A_362 : vector<16xi1>, vector<16xi32>
      %mul3A_364 = arith.constant 128 : i32
      %mul3A_365 = arith.muli %scan3A_240, %mul3A_364 : i32
      %add3A_366 = arith.constant 16 : i32
      %add3A_367 = arith.addi %mul3A_365, %add3A_366 : i32
      %swap3A_368 = arith.index_cast %add3A_367 : i32 to index
      %swap3A_369 = tpu.vector_load %arg21[%swap3A_368] {strides = array<i32>} : memref<1536xi32, #tpu.memory_space<vmem>>, vector<16xi32>,
      tpu.vector_store %arg21[%swap3A_368], %gather3A_355 {strides = array<i32>} : memref<1536xi32, #tpu.memory_space<vmem>>, vector<16xi32>,
      %mul3A_370 = arith.constant 128 : i32
      %mul3A_371 = arith.muli %scan3A_240, %mul3A_370 : i32
      %add3A_372 = arith.constant 16 : i32
      %add3A_373 = arith.addi %mul3A_371, %add3A_372 : i32
      %swap3A_374 = arith.index_cast %add3A_373 : i32 to index
      %swap3A_375 = tpu.vector_load %arg22[%swap3A_374] {strides = array<i32>} : memref<1536xi32, #tpu.memory_space<vmem>>, vector<16xi32>,
      tpu.vector_store %arg22[%swap3A_374], %select_n3A_363 {strides = array<i32>} : memref<1536xi32, #tpu.memory_space<vmem>>, vector<16xi32>,
      %mul3A_376 = arith.constant 128 : i32
      %mul3A_377 = arith.muli %scan3A_240, %mul3A_376 : i32
      %add3A_378 = arith.constant 32 : i32
      %add3A_379 = arith.addi %mul3A_377, %add3A_378 : i32
      %add3A_380 = vector.broadcast %add3A_379 : i32 to vector<16xi32>
      %add3A_381 = arith.addi %add3A_380, %iota3A : vector<16xi32>
      %jit3A_382 = arith.constant 48 : i32
      %div3A_383 = vector.broadcast %jit3A_382 : i32 to vector<16xi32>
      %div3A_384 = arith.divsi %add3A_381, %div3A_383 : vector<16xi32>
      %sign3A_385 = arith.constant 0 : i32
      %sign3A_386 = vector.broadcast %sign3A_385 : i32 to vector<16xi32>
      %sign3A_387 = arith.cmpi sgt, %add3A_381, %sign3A_386 : vector<16xi32>
      %sign3A_388 = arith.extui %sign3A_387 : vector<16xi1> to vector<16xi32>
      %sign3A_389 = arith.constant 0 : i32
      %sign3A_390 = vector.broadcast %sign3A_389 : i32 to vector<16xi32>
      %sign3A_391 = arith.cmpi slt, %add3A_381, %sign3A_390 : vector<16xi32>
      %sign3A_392 = arith.extui %sign3A_391 : vector<16xi1> to vector<16xi32>
      %sign3A_393 = arith.subi %sign3A_388, %sign3A_392 : vector<16xi32>
      %sign3A_394 = arith.constant 0 : i32
      %sign3A_395 = arith.cmpi sgt, %jit3A_382, %sign3A_394 : i32
      %sign3A_396 = arith.extui %sign3A_395 : i1 to i32
      %sign3A_397 = arith.constant 0 : i32
      %sign3A_398 = arith.cmpi slt, %jit3A_382, %sign3A_397 : i32
      %sign3A_399 = arith.extui %sign3A_398 : i1 to i32
      %sign3A_400 = arith.subi %sign3A_396, %sign3A_399 : i32
      %ne3A_401 = vector.broadcast %sign3A_400 : i32 to vector<16xi32>
      %ne3A_402 = arith.cmpi ne, %sign3A_393, %ne3A_401 : vector<16xi32>
      %rem3A_403 = vector.broadcast %jit3A_382 : i32 to vector<16xi32>
      %rem3A_404 = arith.remsi %add3A_381, %rem3A_403 : vector<16xi32>
      %ne3A_405 = arith.constant 0 : i32
      %ne3A_406 = vector.broadcast %ne3A_405 : i32 to vector<16xi32>
      %ne3A_407 = arith.cmpi ne, %rem3A_404, %ne3A_406 : vector<16xi32>
      %and3A_408 = arith.andi %ne3A_402, %ne3A_407 : vector<16xi1>
      %sub3A_409 = arith.constant 1 : i32
      %sub3A_410 = vector.broadcast %sub3A_409 : i32 to vector<16xi32>
      %sub3A_411 = arith.subi %div3A_384, %sub3A_410 : vector<16xi32>
      %select_n3A_412 = arith.select %and3A_408, %sub3A_411, %div3A_384 : vector<16xi1>, vector<16xi32>
      %mul3A_413 = arith.constant 48 : i32
      %mul3A_414 = vector.broadcast %mul3A_413 : i32 to vector<16xi32>
      %mul3A_415 = arith.muli %select_n3A_412, %mul3A_414 : vector<16xi32>
      %sub3A_416 = arith.subi %add3A_381, %mul3A_415 : vector<16xi32>
      %gather3A_417 = tpu.vector_load_idx %arg16[%select_n3A_412] : memref<32xi32, #tpu.memory_space<vmem>>[vector<16xi32>], vector<16xi32>,
      %gather3A_418 = tpu.vector_load_idx %arg17[%select_n3A_412] : memref<32xi32, #tpu.memory_space<vmem>>[vector<16xi32>], vector<16xi32>,
      %add3A_419 = arith.addi %gather3A_417, %sub3A_416 : vector<16xi32>
      %min3A_420 = arith.constant 199 : i32
      %min3A_421 = vector.broadcast %min3A_420 : i32 to vector<16xi32>
      %min3A_422 = arith.minsi %add3A_419, %min3A_421 : vector<16xi32>
      %mul3A_423 = arith.constant 200 : i32
      %mul3A_424 = vector.broadcast %mul3A_423 : i32 to vector<16xi32>
      %mul3A_425 = arith.muli %select_n3A_412, %mul3A_424 : vector<16xi32>
      %add3A_426 = arith.addi %mul3A_425, %min3A_422 : vector<16xi32>
      %gather3A_427 = tpu.vector_load_idx %arg12[%add3A_426] : memref<6400xi32, #tpu.memory_space<vmem>>[vector<16xi32>], vector<16xi32>,
      %lt3A_428 = arith.cmpi slt, %sub3A_416, %gather3A_418 : vector<16xi32>
      %mul3A_429 = arith.constant 32 : i32
      %mul3A_430 = arith.muli %arg1, %mul3A_429 : i32
      %add3A_431 = vector.broadcast %mul3A_430 : i32 to vector<16xi32>
      %add3A_432 = arith.addi %add3A_431, %select_n3A_412 : vector<16xi32>
      %jit3A_433 = arith.constant 512 : i32
      %broadcast_in_dim3A_434 = vector.broadcast %jit3A_433 : i32 to vector<16xi32>
      %select_n3A_435 = arith.select %lt3A_428, %add3A_432, %broadcast_in_dim3A_434 : vector<16xi1>, vector<16xi32>
      %mul3A_436 = arith.constant 128 : i32
      %mul3A_437 = arith.muli %scan3A_240, %mul3A_436 : i32
      %add3A_438 = arith.constant 32 : i32
      %add3A_439 = arith.addi %mul3A_437, %add3A_438 : i32
      %swap3A_440 = arith.index_cast %add3A_439 : i32 to index
      %swap3A_441 = tpu.vector_load %arg21[%swap3A_440] {strides = array<i32>} : memref<1536xi32, #tpu.memory_space<vmem>>, vector<16xi32>,
      tpu.vector_store %arg21[%swap3A_440], %gather3A_427 {strides = array<i32>} : memref<1536xi32, #tpu.memory_space<vmem>>, vector<16xi32>,
      %mul3A_442 = arith.constant 128 : i32
      %mul3A_443 = arith.muli %scan3A_240, %mul3A_442 : i32
      %add3A_444 = arith.constant 32 : i32
      %add3A_445 = arith.addi %mul3A_443, %add3A_444 : i32
      %swap3A_446 = arith.index_cast %add3A_445 : i32 to index
      %swap3A_447 = tpu.vector_load %arg22[%swap3A_446] {strides = array<i32>} : memref<1536xi32, #tpu.memory_space<vmem>>, vector<16xi32>,
      tpu.vector_store %arg22[%swap3A_446], %select_n3A_435 {strides = array<i32>} : memref<1536xi32, #tpu.memory_space<vmem>>, vector<16xi32>,
      %mul3A_448 = arith.constant 128 : i32
      %mul3A_449 = arith.muli %scan3A_240, %mul3A_448 : i32
      %add3A_450 = arith.constant 48 : i32
      %add3A_451 = arith.addi %mul3A_449, %add3A_450 : i32
      %add3A_452 = vector.broadcast %add3A_451 : i32 to vector<16xi32>
      %add3A_453 = arith.addi %add3A_452, %iota3A : vector<16xi32>
      %jit3A_454 = arith.constant 48 : i32
      %div3A_455 = vector.broadcast %jit3A_454 : i32 to vector<16xi32>
      %div3A_456 = arith.divsi %add3A_453, %div3A_455 : vector<16xi32>
      %sign3A_457 = arith.constant 0 : i32
      %sign3A_458 = vector.broadcast %sign3A_457 : i32 to vector<16xi32>
      %sign3A_459 = arith.cmpi sgt, %add3A_453, %sign3A_458 : vector<16xi32>
      %sign3A_460 = arith.extui %sign3A_459 : vector<16xi1> to vector<16xi32>
      %sign3A_461 = arith.constant 0 : i32
      %sign3A_462 = vector.broadcast %sign3A_461 : i32 to vector<16xi32>
      %sign3A_463 = arith.cmpi slt, %add3A_453, %sign3A_462 : vector<16xi32>
      %sign3A_464 = arith.extui %sign3A_463 : vector<16xi1> to vector<16xi32>
      %sign3A_465 = arith.subi %sign3A_460, %sign3A_464 : vector<16xi32>
      %sign3A_466 = arith.constant 0 : i32
      %sign3A_467 = arith.cmpi sgt, %jit3A_454, %sign3A_466 : i32
      %sign3A_468 = arith.extui %sign3A_467 : i1 to i32
      %sign3A_469 = arith.constant 0 : i32
      %sign3A_470 = arith.cmpi slt, %jit3A_454, %sign3A_469 : i32
      %sign3A_471 = arith.extui %sign3A_470 : i1 to i32
      %sign3A_472 = arith.subi %sign3A_468, %sign3A_471 : i32
      %ne3A_473 = vector.broadcast %sign3A_472 : i32 to vector<16xi32>
      %ne3A_474 = arith.cmpi ne, %sign3A_465, %ne3A_473 : vector<16xi32>
      %rem3A_475 = vector.broadcast %jit3A_454 : i32 to vector<16xi32>
      %rem3A_476 = arith.remsi %add3A_453, %rem3A_475 : vector<16xi32>
      %ne3A_477 = arith.constant 0 : i32
      %ne3A_478 = vector.broadcast %ne3A_477 : i32 to vector<16xi32>
      %ne3A_479 = arith.cmpi ne, %rem3A_476, %ne3A_478 : vector<16xi32>
      %and3A_480 = arith.andi %ne3A_474, %ne3A_479 : vector<16xi1>
      %sub3A_481 = arith.constant 1 : i32
      %sub3A_482 = vector.broadcast %sub3A_481 : i32 to vector<16xi32>
      %sub3A_483 = arith.subi %div3A_456, %sub3A_482 : vector<16xi32>
      %select_n3A_484 = arith.select %and3A_480, %sub3A_483, %div3A_456 : vector<16xi1>, vector<16xi32>
      %mul3A_485 = arith.constant 48 : i32
      %mul3A_486 = vector.broadcast %mul3A_485 : i32 to vector<16xi32>
      %mul3A_487 = arith.muli %select_n3A_484, %mul3A_486 : vector<16xi32>
      %sub3A_488 = arith.subi %add3A_453, %mul3A_487 : vector<16xi32>
      %gather3A_489 = tpu.vector_load_idx %arg16[%select_n3A_484] : memref<32xi32, #tpu.memory_space<vmem>>[vector<16xi32>], vector<16xi32>,
      %gather3A_490 = tpu.vector_load_idx %arg17[%select_n3A_484] : memref<32xi32, #tpu.memory_space<vmem>>[vector<16xi32>], vector<16xi32>,
      %add3A_491 = arith.addi %gather3A_489, %sub3A_488 : vector<16xi32>
      %min3A_492 = arith.constant 199 : i32
      %min3A_493 = vector.broadcast %min3A_492 : i32 to vector<16xi32>
      %min3A_494 = arith.minsi %add3A_491, %min3A_493 : vector<16xi32>
      %mul3A_495 = arith.constant 200 : i32
      %mul3A_496 = vector.broadcast %mul3A_495 : i32 to vector<16xi32>
      %mul3A_497 = arith.muli %select_n3A_484, %mul3A_496 : vector<16xi32>
      %add3A_498 = arith.addi %mul3A_497, %min3A_494 : vector<16xi32>
      %gather3A_499 = tpu.vector_load_idx %arg12[%add3A_498] : memref<6400xi32, #tpu.memory_space<vmem>>[vector<16xi32>], vector<16xi32>,
      %lt3A_500 = arith.cmpi slt, %sub3A_488, %gather3A_490 : vector<16xi32>
      %mul3A_501 = arith.constant 32 : i32
      %mul3A_502 = arith.muli %arg1, %mul3A_501 : i32
      %add3A_503 = vector.broadcast %mul3A_502 : i32 to vector<16xi32>
      %add3A_504 = arith.addi %add3A_503, %select_n3A_484 : vector<16xi32>
      %jit3A_505 = arith.constant 512 : i32
      %broadcast_in_dim3A_506 = vector.broadcast %jit3A_505 : i32 to vector<16xi32>
      %select_n3A_507 = arith.select %lt3A_500, %add3A_504, %broadcast_in_dim3A_506 : vector<16xi1>, vector<16xi32>
      %mul3A_508 = arith.constant 128 : i32
      %mul3A_509 = arith.muli %scan3A_240, %mul3A_508 : i32
      %add3A_510 = arith.constant 48 : i32
      %add3A_511 = arith.addi %mul3A_509, %add3A_510 : i32
      %swap3A_512 = arith.index_cast %add3A_511 : i32 to index
      %swap3A_513 = tpu.vector_load %arg21[%swap3A_512] {strides = array<i32>} : memref<1536xi32, #tpu.memory_space<vmem>>, vector<16xi32>,
      tpu.vector_store %arg21[%swap3A_512], %gather3A_499 {strides = array<i32>} : memref<1536xi32, #tpu.memory_space<vmem>>, vector<16xi32>,
      %mul3A_514 = arith.constant 128 : i32
      %mul3A_515 = arith.muli %scan3A_240, %mul3A_514 : i32
      %add3A_516 = arith.constant 48 : i32
      %add3A_517 = arith.addi %mul3A_515, %add3A_516 : i32
      %swap3A_518 = arith.index_cast %add3A_517 : i32 to index
      %swap3A_519 = tpu.vector_load %arg22[%swap3A_518] {strides = array<i32>} : memref<1536xi32, #tpu.memory_space<vmem>>, vector<16xi32>,
      tpu.vector_store %arg22[%swap3A_518], %select_n3A_507 {strides = array<i32>} : memref<1536xi32, #tpu.memory_space<vmem>>, vector<16xi32>,
      %mul3A_520 = arith.constant 128 : i32
      %mul3A_521 = arith.muli %scan3A_240, %mul3A_520 : i32
      %add3A_522 = arith.constant 64 : i32
      %add3A_523 = arith.addi %mul3A_521, %add3A_522 : i32
      %add3A_524 = vector.broadcast %add3A_523 : i32 to vector<16xi32>
      %add3A_525 = arith.addi %add3A_524, %iota3A : vector<16xi32>
      %jit3A_526 = arith.constant 48 : i32
      %div3A_527 = vector.broadcast %jit3A_526 : i32 to vector<16xi32>
      %div3A_528 = arith.divsi %add3A_525, %div3A_527 : vector<16xi32>
      %sign3A_529 = arith.constant 0 : i32
      %sign3A_530 = vector.broadcast %sign3A_529 : i32 to vector<16xi32>
      %sign3A_531 = arith.cmpi sgt, %add3A_525, %sign3A_530 : vector<16xi32>
      %sign3A_532 = arith.extui %sign3A_531 : vector<16xi1> to vector<16xi32>
      %sign3A_533 = arith.constant 0 : i32
      %sign3A_534 = vector.broadcast %sign3A_533 : i32 to vector<16xi32>
      %sign3A_535 = arith.cmpi slt, %add3A_525, %sign3A_534 : vector<16xi32>
      %sign3A_536 = arith.extui %sign3A_535 : vector<16xi1> to vector<16xi32>
      %sign3A_537 = arith.subi %sign3A_532, %sign3A_536 : vector<16xi32>
      %sign3A_538 = arith.constant 0 : i32
      %sign3A_539 = arith.cmpi sgt, %jit3A_526, %sign3A_538 : i32
      %sign3A_540 = arith.extui %sign3A_539 : i1 to i32
      %sign3A_541 = arith.constant 0 : i32
      %sign3A_542 = arith.cmpi slt, %jit3A_526, %sign3A_541 : i32
      %sign3A_543 = arith.extui %sign3A_542 : i1 to i32
      %sign3A_544 = arith.subi %sign3A_540, %sign3A_543 : i32
      %ne3A_545 = vector.broadcast %sign3A_544 : i32 to vector<16xi32>
      %ne3A_546 = arith.cmpi ne, %sign3A_537, %ne3A_545 : vector<16xi32>
      %rem3A_547 = vector.broadcast %jit3A_526 : i32 to vector<16xi32>
      %rem3A_548 = arith.remsi %add3A_525, %rem3A_547 : vector<16xi32>
      %ne3A_549 = arith.constant 0 : i32
      %ne3A_550 = vector.broadcast %ne3A_549 : i32 to vector<16xi32>
      %ne3A_551 = arith.cmpi ne, %rem3A_548, %ne3A_550 : vector<16xi32>
      %and3A_552 = arith.andi %ne3A_546, %ne3A_551 : vector<16xi1>
      %sub3A_553 = arith.constant 1 : i32
      %sub3A_554 = vector.broadcast %sub3A_553 : i32 to vector<16xi32>
      %sub3A_555 = arith.subi %div3A_528, %sub3A_554 : vector<16xi32>
      %select_n3A_556 = arith.select %and3A_552, %sub3A_555, %div3A_528 : vector<16xi1>, vector<16xi32>
      %mul3A_557 = arith.constant 48 : i32
      %mul3A_558 = vector.broadcast %mul3A_557 : i32 to vector<16xi32>
      %mul3A_559 = arith.muli %select_n3A_556, %mul3A_558 : vector<16xi32>
      %sub3A_560 = arith.subi %add3A_525, %mul3A_559 : vector<16xi32>
      %gather3A_561 = tpu.vector_load_idx %arg16[%select_n3A_556] : memref<32xi32, #tpu.memory_space<vmem>>[vector<16xi32>], vector<16xi32>,
      %gather3A_562 = tpu.vector_load_idx %arg17[%select_n3A_556] : memref<32xi32, #tpu.memory_space<vmem>>[vector<16xi32>], vector<16xi32>,
      %add3A_563 = arith.addi %gather3A_561, %sub3A_560 : vector<16xi32>
      %min3A_564 = arith.constant 199 : i32
      %min3A_565 = vector.broadcast %min3A_564 : i32 to vector<16xi32>
      %min3A_566 = arith.minsi %add3A_563, %min3A_565 : vector<16xi32>
      %mul3A_567 = arith.constant 200 : i32
      %mul3A_568 = vector.broadcast %mul3A_567 : i32 to vector<16xi32>
      %mul3A_569 = arith.muli %select_n3A_556, %mul3A_568 : vector<16xi32>
      %add3A_570 = arith.addi %mul3A_569, %min3A_566 : vector<16xi32>
      %gather3A_571 = tpu.vector_load_idx %arg12[%add3A_570] : memref<6400xi32, #tpu.memory_space<vmem>>[vector<16xi32>], vector<16xi32>,
      %lt3A_572 = arith.cmpi slt, %sub3A_560, %gather3A_562 : vector<16xi32>
      %mul3A_573 = arith.constant 32 : i32
      %mul3A_574 = arith.muli %arg1, %mul3A_573 : i32
      %add3A_575 = vector.broadcast %mul3A_574 : i32 to vector<16xi32>
      %add3A_576 = arith.addi %add3A_575, %select_n3A_556 : vector<16xi32>
      %jit3A_577 = arith.constant 512 : i32
      %broadcast_in_dim3A_578 = vector.broadcast %jit3A_577 : i32 to vector<16xi32>
      %select_n3A_579 = arith.select %lt3A_572, %add3A_576, %broadcast_in_dim3A_578 : vector<16xi1>, vector<16xi32>
      %mul3A_580 = arith.constant 128 : i32
      %mul3A_581 = arith.muli %scan3A_240, %mul3A_580 : i32
      %add3A_582 = arith.constant 64 : i32
      %add3A_583 = arith.addi %mul3A_581, %add3A_582 : i32
      %swap3A_584 = arith.index_cast %add3A_583 : i32 to index
      %swap3A_585 = tpu.vector_load %arg21[%swap3A_584] {strides = array<i32>} : memref<1536xi32, #tpu.memory_space<vmem>>, vector<16xi32>,
      tpu.vector_store %arg21[%swap3A_584], %gather3A_571 {strides = array<i32>} : memref<1536xi32, #tpu.memory_space<vmem>>, vector<16xi32>,
      %mul3A_586 = arith.constant 128 : i32
      %mul3A_587 = arith.muli %scan3A_240, %mul3A_586 : i32
      %add3A_588 = arith.constant 64 : i32
      %add3A_589 = arith.addi %mul3A_587, %add3A_588 : i32
      %swap3A_590 = arith.index_cast %add3A_589 : i32 to index
      %swap3A_591 = tpu.vector_load %arg22[%swap3A_590] {strides = array<i32>} : memref<1536xi32, #tpu.memory_space<vmem>>, vector<16xi32>,
      tpu.vector_store %arg22[%swap3A_590], %select_n3A_579 {strides = array<i32>} : memref<1536xi32, #tpu.memory_space<vmem>>, vector<16xi32>,
      %mul3A_592 = arith.constant 128 : i32
      %mul3A_593 = arith.muli %scan3A_240, %mul3A_592 : i32
      %add3A_594 = arith.constant 80 : i32
      %add3A_595 = arith.addi %mul3A_593, %add3A_594 : i32
      %add3A_596 = vector.broadcast %add3A_595 : i32 to vector<16xi32>
      %add3A_597 = arith.addi %add3A_596, %iota3A : vector<16xi32>
      %jit3A_598 = arith.constant 48 : i32
      %div3A_599 = vector.broadcast %jit3A_598 : i32 to vector<16xi32>
      %div3A_600 = arith.divsi %add3A_597, %div3A_599 : vector<16xi32>
      %sign3A_601 = arith.constant 0 : i32
      %sign3A_602 = vector.broadcast %sign3A_601 : i32 to vector<16xi32>
      %sign3A_603 = arith.cmpi sgt, %add3A_597, %sign3A_602 : vector<16xi32>
      %sign3A_604 = arith.extui %sign3A_603 : vector<16xi1> to vector<16xi32>
      %sign3A_605 = arith.constant 0 : i32
      %sign3A_606 = vector.broadcast %sign3A_605 : i32 to vector<16xi32>
      %sign3A_607 = arith.cmpi slt, %add3A_597, %sign3A_606 : vector<16xi32>
      %sign3A_608 = arith.extui %sign3A_607 : vector<16xi1> to vector<16xi32>
      %sign3A_609 = arith.subi %sign3A_604, %sign3A_608 : vector<16xi32>
      %sign3A_610 = arith.constant 0 : i32
      %sign3A_611 = arith.cmpi sgt, %jit3A_598, %sign3A_610 : i32
      %sign3A_612 = arith.extui %sign3A_611 : i1 to i32
      %sign3A_613 = arith.constant 0 : i32
      %sign3A_614 = arith.cmpi slt, %jit3A_598, %sign3A_613 : i32
      %sign3A_615 = arith.extui %sign3A_614 : i1 to i32
      %sign3A_616 = arith.subi %sign3A_612, %sign3A_615 : i32
      %ne3A_617 = vector.broadcast %sign3A_616 : i32 to vector<16xi32>
      %ne3A_618 = arith.cmpi ne, %sign3A_609, %ne3A_617 : vector<16xi32>
      %rem3A_619 = vector.broadcast %jit3A_598 : i32 to vector<16xi32>
      %rem3A_620 = arith.remsi %add3A_597, %rem3A_619 : vector<16xi32>
      %ne3A_621 = arith.constant 0 : i32
      %ne3A_622 = vector.broadcast %ne3A_621 : i32 to vector<16xi32>
      %ne3A_623 = arith.cmpi ne, %rem3A_620, %ne3A_622 : vector<16xi32>
      %and3A_624 = arith.andi %ne3A_618, %ne3A_623 : vector<16xi1>
      %sub3A_625 = arith.constant 1 : i32
      %sub3A_626 = vector.broadcast %sub3A_625 : i32 to vector<16xi32>
      %sub3A_627 = arith.subi %div3A_600, %sub3A_626 : vector<16xi32>
      %select_n3A_628 = arith.select %and3A_624, %sub3A_627, %div3A_600 : vector<16xi1>, vector<16xi32>
      %mul3A_629 = arith.constant 48 : i32
      %mul3A_630 = vector.broadcast %mul3A_629 : i32 to vector<16xi32>
      %mul3A_631 = arith.muli %select_n3A_628, %mul3A_630 : vector<16xi32>
      %sub3A_632 = arith.subi %add3A_597, %mul3A_631 : vector<16xi32>
      %gather3A_633 = tpu.vector_load_idx %arg16[%select_n3A_628] : memref<32xi32, #tpu.memory_space<vmem>>[vector<16xi32>], vector<16xi32>,
      %gather3A_634 = tpu.vector_load_idx %arg17[%select_n3A_628] : memref<32xi32, #tpu.memory_space<vmem>>[vector<16xi32>], vector<16xi32>,
      %add3A_635 = arith.addi %gather3A_633, %sub3A_632 : vector<16xi32>
      %min3A_636 = arith.constant 199 : i32
      %min3A_637 = vector.broadcast %min3A_636 : i32 to vector<16xi32>
      %min3A_638 = arith.minsi %add3A_635, %min3A_637 : vector<16xi32>
      %mul3A_639 = arith.constant 200 : i32
      %mul3A_640 = vector.broadcast %mul3A_639 : i32 to vector<16xi32>
      %mul3A_641 = arith.muli %select_n3A_628, %mul3A_640 : vector<16xi32>
      %add3A_642 = arith.addi %mul3A_641, %min3A_638 : vector<16xi32>
      %gather3A_643 = tpu.vector_load_idx %arg12[%add3A_642] : memref<6400xi32, #tpu.memory_space<vmem>>[vector<16xi32>], vector<16xi32>,
      %lt3A_644 = arith.cmpi slt, %sub3A_632, %gather3A_634 : vector<16xi32>
      %mul3A_645 = arith.constant 32 : i32
      %mul3A_646 = arith.muli %arg1, %mul3A_645 : i32
      %add3A_647 = vector.broadcast %mul3A_646 : i32 to vector<16xi32>
      %add3A_648 = arith.addi %add3A_647, %select_n3A_628 : vector<16xi32>
      %jit3A_649 = arith.constant 512 : i32
      %broadcast_in_dim3A_650 = vector.broadcast %jit3A_649 : i32 to vector<16xi32>
      %select_n3A_651 = arith.select %lt3A_644, %add3A_648, %broadcast_in_dim3A_650 : vector<16xi1>, vector<16xi32>
      %mul3A_652 = arith.constant 128 : i32
      %mul3A_653 = arith.muli %scan3A_240, %mul3A_652 : i32
      %add3A_654 = arith.constant 80 : i32
      %add3A_655 = arith.addi %mul3A_653, %add3A_654 : i32
      %swap3A_656 = arith.index_cast %add3A_655 : i32 to index
      %swap3A_657 = tpu.vector_load %arg21[%swap3A_656] {strides = array<i32>} : memref<1536xi32, #tpu.memory_space<vmem>>, vector<16xi32>,
      tpu.vector_store %arg21[%swap3A_656], %gather3A_643 {strides = array<i32>} : memref<1536xi32, #tpu.memory_space<vmem>>, vector<16xi32>,
      %mul3A_658 = arith.constant 128 : i32
      %mul3A_659 = arith.muli %scan3A_240, %mul3A_658 : i32
      %add3A_660 = arith.constant 80 : i32
      %add3A_661 = arith.addi %mul3A_659, %add3A_660 : i32
      %swap3A_662 = arith.index_cast %add3A_661 : i32 to index
      %swap3A_663 = tpu.vector_load %arg22[%swap3A_662] {strides = array<i32>} : memref<1536xi32, #tpu.memory_space<vmem>>, vector<16xi32>,
      tpu.vector_store %arg22[%swap3A_662], %select_n3A_651 {strides = array<i32>} : memref<1536xi32, #tpu.memory_space<vmem>>, vector<16xi32>,
      %mul3A_664 = arith.constant 128 : i32
      %mul3A_665 = arith.muli %scan3A_240, %mul3A_664 : i32
      %add3A_666 = arith.constant 96 : i32
      %add3A_667 = arith.addi %mul3A_665, %add3A_666 : i32
      %add3A_668 = vector.broadcast %add3A_667 : i32 to vector<16xi32>
      %add3A_669 = arith.addi %add3A_668, %iota3A : vector<16xi32>
      %jit3A_670 = arith.constant 48 : i32
      %div3A_671 = vector.broadcast %jit3A_670 : i32 to vector<16xi32>
      %div3A_672 = arith.divsi %add3A_669, %div3A_671 : vector<16xi32>
      %sign3A_673 = arith.constant 0 : i32
      %sign3A_674 = vector.broadcast %sign3A_673 : i32 to vector<16xi32>
      %sign3A_675 = arith.cmpi sgt, %add3A_669, %sign3A_674 : vector<16xi32>
      %sign3A_676 = arith.extui %sign3A_675 : vector<16xi1> to vector<16xi32>
      %sign3A_677 = arith.constant 0 : i32
      %sign3A_678 = vector.broadcast %sign3A_677 : i32 to vector<16xi32>
      %sign3A_679 = arith.cmpi slt, %add3A_669, %sign3A_678 : vector<16xi32>
      %sign3A_680 = arith.extui %sign3A_679 : vector<16xi1> to vector<16xi32>
      %sign3A_681 = arith.subi %sign3A_676, %sign3A_680 : vector<16xi32>
      %sign3A_682 = arith.constant 0 : i32
      %sign3A_683 = arith.cmpi sgt, %jit3A_670, %sign3A_682 : i32
      %sign3A_684 = arith.extui %sign3A_683 : i1 to i32
      %sign3A_685 = arith.constant 0 : i32
      %sign3A_686 = arith.cmpi slt, %jit3A_670, %sign3A_685 : i32
      %sign3A_687 = arith.extui %sign3A_686 : i1 to i32
      %sign3A_688 = arith.subi %sign3A_684, %sign3A_687 : i32
      %ne3A_689 = vector.broadcast %sign3A_688 : i32 to vector<16xi32>
      %ne3A_690 = arith.cmpi ne, %sign3A_681, %ne3A_689 : vector<16xi32>
      %rem3A_691 = vector.broadcast %jit3A_670 : i32 to vector<16xi32>
      %rem3A_692 = arith.remsi %add3A_669, %rem3A_691 : vector<16xi32>
      %ne3A_693 = arith.constant 0 : i32
      %ne3A_694 = vector.broadcast %ne3A_693 : i32 to vector<16xi32>
      %ne3A_695 = arith.cmpi ne, %rem3A_692, %ne3A_694 : vector<16xi32>
      %and3A_696 = arith.andi %ne3A_690, %ne3A_695 : vector<16xi1>
      %sub3A_697 = arith.constant 1 : i32
      %sub3A_698 = vector.broadcast %sub3A_697 : i32 to vector<16xi32>
      %sub3A_699 = arith.subi %div3A_672, %sub3A_698 : vector<16xi32>
      %select_n3A_700 = arith.select %and3A_696, %sub3A_699, %div3A_672 : vector<16xi1>, vector<16xi32>
      %mul3A_701 = arith.constant 48 : i32
      %mul3A_702 = vector.broadcast %mul3A_701 : i32 to vector<16xi32>
      %mul3A_703 = arith.muli %select_n3A_700, %mul3A_702 : vector<16xi32>
      %sub3A_704 = arith.subi %add3A_669, %mul3A_703 : vector<16xi32>
      %gather3A_705 = tpu.vector_load_idx %arg16[%select_n3A_700] : memref<32xi32, #tpu.memory_space<vmem>>[vector<16xi32>], vector<16xi32>,
      %gather3A_706 = tpu.vector_load_idx %arg17[%select_n3A_700] : memref<32xi32, #tpu.memory_space<vmem>>[vector<16xi32>], vector<16xi32>,
      %add3A_707 = arith.addi %gather3A_705, %sub3A_704 : vector<16xi32>
      %min3A_708 = arith.constant 199 : i32
      %min3A_709 = vector.broadcast %min3A_708 : i32 to vector<16xi32>
      %min3A_710 = arith.minsi %add3A_707, %min3A_709 : vector<16xi32>
      %mul3A_711 = arith.constant 200 : i32
      %mul3A_712 = vector.broadcast %mul3A_711 : i32 to vector<16xi32>
      %mul3A_713 = arith.muli %select_n3A_700, %mul3A_712 : vector<16xi32>
      %add3A_714 = arith.addi %mul3A_713, %min3A_710 : vector<16xi32>
      %gather3A_715 = tpu.vector_load_idx %arg12[%add3A_714] : memref<6400xi32, #tpu.memory_space<vmem>>[vector<16xi32>], vector<16xi32>,
      %lt3A_716 = arith.cmpi slt, %sub3A_704, %gather3A_706 : vector<16xi32>
      %mul3A_717 = arith.constant 32 : i32
      %mul3A_718 = arith.muli %arg1, %mul3A_717 : i32
      %add3A_719 = vector.broadcast %mul3A_718 : i32 to vector<16xi32>
      %add3A_720 = arith.addi %add3A_719, %select_n3A_700 : vector<16xi32>
      %jit3A_721 = arith.constant 512 : i32
      %broadcast_in_dim3A_722 = vector.broadcast %jit3A_721 : i32 to vector<16xi32>
      %select_n3A_723 = arith.select %lt3A_716, %add3A_720, %broadcast_in_dim3A_722 : vector<16xi1>, vector<16xi32>
      %mul3A_724 = arith.constant 128 : i32
      %mul3A_725 = arith.muli %scan3A_240, %mul3A_724 : i32
      %add3A_726 = arith.constant 96 : i32
      %add3A_727 = arith.addi %mul3A_725, %add3A_726 : i32
      %swap3A_728 = arith.index_cast %add3A_727 : i32 to index
      %swap3A_729 = tpu.vector_load %arg21[%swap3A_728] {strides = array<i32>} : memref<1536xi32, #tpu.memory_space<vmem>>, vector<16xi32>,
      tpu.vector_store %arg21[%swap3A_728], %gather3A_715 {strides = array<i32>} : memref<1536xi32, #tpu.memory_space<vmem>>, vector<16xi32>,
      %mul3A_730 = arith.constant 128 : i32
      %mul3A_731 = arith.muli %scan3A_240, %mul3A_730 : i32
      %add3A_732 = arith.constant 96 : i32
      %add3A_733 = arith.addi %mul3A_731, %add3A_732 : i32
      %swap3A_734 = arith.index_cast %add3A_733 : i32 to index
      %swap3A_735 = tpu.vector_load %arg22[%swap3A_734] {strides = array<i32>} : memref<1536xi32, #tpu.memory_space<vmem>>, vector<16xi32>,
      tpu.vector_store %arg22[%swap3A_734], %select_n3A_723 {strides = array<i32>} : memref<1536xi32, #tpu.memory_space<vmem>>, vector<16xi32>,
      %mul3A_736 = arith.constant 128 : i32
      %mul3A_737 = arith.muli %scan3A_240, %mul3A_736 : i32
      %add3A_738 = arith.constant 112 : i32
      %add3A_739 = arith.addi %mul3A_737, %add3A_738 : i32
      %add3A_740 = vector.broadcast %add3A_739 : i32 to vector<16xi32>
      %add3A_741 = arith.addi %add3A_740, %iota3A : vector<16xi32>
      %jit3A_742 = arith.constant 48 : i32
      %div3A_743 = vector.broadcast %jit3A_742 : i32 to vector<16xi32>
      %div3A_744 = arith.divsi %add3A_741, %div3A_743 : vector<16xi32>
      %sign3A_745 = arith.constant 0 : i32
      %sign3A_746 = vector.broadcast %sign3A_745 : i32 to vector<16xi32>
      %sign3A_747 = arith.cmpi sgt, %add3A_741, %sign3A_746 : vector<16xi32>
      %sign3A_748 = arith.extui %sign3A_747 : vector<16xi1> to vector<16xi32>
      %sign3A_749 = arith.constant 0 : i32
      %sign3A_750 = vector.broadcast %sign3A_749 : i32 to vector<16xi32>
      %sign3A_751 = arith.cmpi slt, %add3A_741, %sign3A_750 : vector<16xi32>
      %sign3A_752 = arith.extui %sign3A_751 : vector<16xi1> to vector<16xi32>
      %sign3A_753 = arith.subi %sign3A_748, %sign3A_752 : vector<16xi32>
      %sign3A_754 = arith.constant 0 : i32
      %sign3A_755 = arith.cmpi sgt, %jit3A_742, %sign3A_754 : i32
      %sign3A_756 = arith.extui %sign3A_755 : i1 to i32
      %sign3A_757 = arith.constant 0 : i32
      %sign3A_758 = arith.cmpi slt, %jit3A_742, %sign3A_757 : i32
      %sign3A_759 = arith.extui %sign3A_758 : i1 to i32
      %sign3A_760 = arith.subi %sign3A_756, %sign3A_759 : i32
      %ne3A_761 = vector.broadcast %sign3A_760 : i32 to vector<16xi32>
      %ne3A_762 = arith.cmpi ne, %sign3A_753, %ne3A_761 : vector<16xi32>
      %rem3A_763 = vector.broadcast %jit3A_742 : i32 to vector<16xi32>
      %rem3A_764 = arith.remsi %add3A_741, %rem3A_763 : vector<16xi32>
      %ne3A_765 = arith.constant 0 : i32
      %ne3A_766 = vector.broadcast %ne3A_765 : i32 to vector<16xi32>
      %ne3A_767 = arith.cmpi ne, %rem3A_764, %ne3A_766 : vector<16xi32>
      %and3A_768 = arith.andi %ne3A_762, %ne3A_767 : vector<16xi1>
      %sub3A_769 = arith.constant 1 : i32
      %sub3A_770 = vector.broadcast %sub3A_769 : i32 to vector<16xi32>
      %sub3A_771 = arith.subi %div3A_744, %sub3A_770 : vector<16xi32>
      %select_n3A_772 = arith.select %and3A_768, %sub3A_771, %div3A_744 : vector<16xi1>, vector<16xi32>
      %mul3A_773 = arith.constant 48 : i32
      %mul3A_774 = vector.broadcast %mul3A_773 : i32 to vector<16xi32>
      %mul3A_775 = arith.muli %select_n3A_772, %mul3A_774 : vector<16xi32>
      %sub3A_776 = arith.subi %add3A_741, %mul3A_775 : vector<16xi32>
      %gather3A_777 = tpu.vector_load_idx %arg16[%select_n3A_772] : memref<32xi32, #tpu.memory_space<vmem>>[vector<16xi32>], vector<16xi32>,
      %gather3A_778 = tpu.vector_load_idx %arg17[%select_n3A_772] : memref<32xi32, #tpu.memory_space<vmem>>[vector<16xi32>], vector<16xi32>,
      %add3A_779 = arith.addi %gather3A_777, %sub3A_776 : vector<16xi32>
      %min3A_780 = arith.constant 199 : i32
      %min3A_781 = vector.broadcast %min3A_780 : i32 to vector<16xi32>
      %min3A_782 = arith.minsi %add3A_779, %min3A_781 : vector<16xi32>
      %mul3A_783 = arith.constant 200 : i32
      %mul3A_784 = vector.broadcast %mul3A_783 : i32 to vector<16xi32>
      %mul3A_785 = arith.muli %select_n3A_772, %mul3A_784 : vector<16xi32>
      %add3A_786 = arith.addi %mul3A_785, %min3A_782 : vector<16xi32>
      %gather3A_787 = tpu.vector_load_idx %arg12[%add3A_786] : memref<6400xi32, #tpu.memory_space<vmem>>[vector<16xi32>], vector<16xi32>,
      %lt3A_788 = arith.cmpi slt, %sub3A_776, %gather3A_778 : vector<16xi32>
      %mul3A_789 = arith.constant 32 : i32
      %mul3A_790 = arith.muli %arg1, %mul3A_789 : i32
      %add3A_791 = vector.broadcast %mul3A_790 : i32 to vector<16xi32>
      %add3A_792 = arith.addi %add3A_791, %select_n3A_772 : vector<16xi32>
      %jit3A_793 = arith.constant 512 : i32
      %broadcast_in_dim3A_794 = vector.broadcast %jit3A_793 : i32 to vector<16xi32>
      %select_n3A_795 = arith.select %lt3A_788, %add3A_792, %broadcast_in_dim3A_794 : vector<16xi1>, vector<16xi32>
      %mul3A_796 = arith.constant 128 : i32
      %mul3A_797 = arith.muli %scan3A_240, %mul3A_796 : i32
      %add3A_798 = arith.constant 112 : i32
      %add3A_799 = arith.addi %mul3A_797, %add3A_798 : i32
      %swap3A_800 = arith.index_cast %add3A_799 : i32 to index
      %swap3A_801 = tpu.vector_load %arg21[%swap3A_800] {strides = array<i32>} : memref<1536xi32, #tpu.memory_space<vmem>>, vector<16xi32>,
      tpu.vector_store %arg21[%swap3A_800], %gather3A_787 {strides = array<i32>} : memref<1536xi32, #tpu.memory_space<vmem>>, vector<16xi32>,
      %mul3A_802 = arith.constant 128 : i32
      %mul3A_803 = arith.muli %scan3A_240, %mul3A_802 : i32
      %add3A_804 = arith.constant 112 : i32
      %add3A_805 = arith.addi %mul3A_803, %add3A_804 : i32
      %swap3A_806 = arith.index_cast %add3A_805 : i32 to index
      %swap3A_807 = tpu.vector_load %arg22[%swap3A_806] {strides = array<i32>} : memref<1536xi32, #tpu.memory_space<vmem>>, vector<16xi32>,
      tpu.vector_store %arg22[%swap3A_806], %select_n3A_795 {strides = array<i32>} : memref<1536xi32, #tpu.memory_space<vmem>>, vector<16xi32>,
    }
    %scan3A_56 = arith.constant 12 : i32
    %dma_start3A = arith.constant 0 : i32
    %dma_start3A_57 = tpu.memref_slice %arg19[%dma_start3A] : memref<3072xi32, #tpu.memory_space<vmem>> -> memref<512xi32, #tpu.memory_space<vmem>>
    %dma_start3A_58 = arith.constant 0 : i32
    %dma_start3A_59 = arith.constant 0 : i32
    %dma_start3A_60 = tpu.memref_slice %arg8[%dma_start3A_58, %dma_start3A_59] : memref<100001x64xf32, #tpu.memory_space<hbm>> -> memref<100001x64xf32, #tpu.memory_space<hbm>>
    tpu.enqueue_indirect_dma source(%dma_start3A_60 : memref<100001x64xf32, #tpu.memory_space<hbm>>) target(%arg23 : memref<512x64xf32, #tpu.memory_space<vmem>>) offsets(%dma_start3A_57 : memref<512xi32, #tpu.memory_space<vmem>>) semaphore(%arg27 : memref<!tpu.dma_semaphore, #tpu.memory_space<semaphore_mem>>)
    %dma_start3A_61 = arith.constant 512 : i32
    %dma_start3A_62 = tpu.memref_slice %arg19[%dma_start3A_61] : memref<3072xi32, #tpu.memory_space<vmem>> -> memref<512xi32, #tpu.memory_space<vmem>>
    %dma_start3A_63 = arith.constant 0 : i32
    %dma_start3A_64 = arith.constant 0 : i32
    %dma_start3A_65 = tpu.memref_slice %arg8[%dma_start3A_63, %dma_start3A_64] : memref<100001x64xf32, #tpu.memory_space<hbm>> -> memref<100001x64xf32, #tpu.memory_space<hbm>>
    tpu.enqueue_indirect_dma source(%dma_start3A_65 : memref<100001x64xf32, #tpu.memory_space<hbm>>) target(%arg24 : memref<512x64xf32, #tpu.memory_space<vmem>>) offsets(%dma_start3A_62 : memref<512xi32, #tpu.memory_space<vmem>>) semaphore(%arg28 : memref<!tpu.dma_semaphore, #tpu.memory_space<semaphore_mem>>)
    %dma_wait3A = arith.constant 0 : i32
    %dma_wait3A_66 = tpu.memref_slice %arg19[%dma_wait3A] : memref<3072xi32, #tpu.memory_space<vmem>> -> memref<512xi32, #tpu.memory_space<vmem>>
    %dma_wait3A_67 = arith.constant 0 : i32
    %dma_wait3A_68 = arith.constant 0 : i32
    %dma_wait3A_69 = tpu.memref_slice %arg8[%dma_wait3A_67, %dma_wait3A_68] : memref<100001x64xf32, #tpu.memory_space<hbm>> -> memref<100001x64xf32, #tpu.memory_space<hbm>>
    tpu.wait_indirect_dma semaphore(%arg27 : memref<!tpu.dma_semaphore, #tpu.memory_space<semaphore_mem>>) src(%dma_wait3A_69 : memref<100001x64xf32, #tpu.memory_space<hbm>>) dst(%arg23 : memref<512x64xf32, #tpu.memory_space<vmem>>)
    %dma_start3A_70 = arith.constant 0 : i32
    %dma_start3A_71 = tpu.memref_slice %arg20[%dma_start3A_70] : memref<3072xi32, #tpu.memory_space<vmem>> -> memref<512xi32, #tpu.memory_space<vmem>>
    %dma_start3A_72 = arith.constant 0 : i32
    %dma_start3A_73 = arith.constant 0 : i32
    %dma_start3A_74 = tpu.memref_slice %arg25[%dma_start3A_72, %dma_start3A_73] : memref<520x64xf32, #tpu.memory_space<vmem_shared>> -> memref<520x64xf32, #tpu.memory_space<vmem_shared>>
    tpu.enqueue_indirect_dma source(%arg23 : memref<512x64xf32, #tpu.memory_space<vmem>>) target(%dma_start3A_74 : memref<520x64xf32, #tpu.memory_space<vmem_shared>>) offsets(%dma_start3A_71 : memref<512xi32, #tpu.memory_space<vmem>>) semaphore(%arg29 : memref<!tpu.dma_semaphore, #tpu.memory_space<semaphore_mem>>) {add = true}
    %dma_wait3A_75 = arith.constant 0 : i32
    %dma_wait3A_76 = tpu.memref_slice %arg20[%dma_wait3A_75] : memref<3072xi32, #tpu.memory_space<vmem>> -> memref<512xi32, #tpu.memory_space<vmem>>
    %dma_wait3A_77 = arith.constant 0 : i32
    %dma_wait3A_78 = arith.constant 0 : i32
    %dma_wait3A_79 = tpu.memref_slice %arg25[%dma_wait3A_77, %dma_wait3A_78] : memref<520x64xf32, #tpu.memory_space<vmem_shared>> -> memref<520x64xf32, #tpu.memory_space<vmem_shared>>
    tpu.wait_indirect_dma semaphore(%arg29 : memref<!tpu.dma_semaphore, #tpu.memory_space<semaphore_mem>>) src(%arg23 : memref<512x64xf32, #tpu.memory_space<vmem>>) dst(%dma_wait3A_79 : memref<520x64xf32, #tpu.memory_space<vmem_shared>>)
    %dma_start3A_80 = arith.constant 1024 : i32
    %dma_start3A_81 = tpu.memref_slice %arg19[%dma_start3A_80] : memref<3072xi32, #tpu.memory_space<vmem>> -> memref<512xi32, #tpu.memory_space<vmem>>
    %dma_start3A_82 = arith.constant 0 : i32
    %dma_start3A_83 = arith.constant 0 : i32
    %dma_start3A_84 = tpu.memref_slice %arg8[%dma_start3A_82, %dma_start3A_83] : memref<100001x64xf32, #tpu.memory_space<hbm>> -> memref<100001x64xf32, #tpu.memory_space<hbm>>
    tpu.enqueue_indirect_dma source(%dma_start3A_84 : memref<100001x64xf32, #tpu.memory_space<hbm>>) target(%arg23 : memref<512x64xf32, #tpu.memory_space<vmem>>) offsets(%dma_start3A_81 : memref<512xi32, #tpu.memory_space<vmem>>) semaphore(%arg27 : memref<!tpu.dma_semaphore, #tpu.memory_space<semaphore_mem>>)
    %dma_wait3A_85 = arith.constant 512 : i32
    %dma_wait3A_86 = tpu.memref_slice %arg19[%dma_wait3A_85] : memref<3072xi32, #tpu.memory_space<vmem>> -> memref<512xi32, #tpu.memory_space<vmem>>
    %dma_wait3A_87 = arith.constant 0 : i32
    %dma_wait3A_88 = arith.constant 0 : i32
    %dma_wait3A_89 = tpu.memref_slice %arg8[%dma_wait3A_87, %dma_wait3A_88] : memref<100001x64xf32, #tpu.memory_space<hbm>> -> memref<100001x64xf32, #tpu.memory_space<hbm>>
    tpu.wait_indirect_dma semaphore(%arg28 : memref<!tpu.dma_semaphore, #tpu.memory_space<semaphore_mem>>) src(%dma_wait3A_89 : memref<100001x64xf32, #tpu.memory_space<hbm>>) dst(%arg24 : memref<512x64xf32, #tpu.memory_space<vmem>>)
    %dma_start3A_90 = arith.constant 512 : i32
    %dma_start3A_91 = tpu.memref_slice %arg20[%dma_start3A_90] : memref<3072xi32, #tpu.memory_space<vmem>> -> memref<512xi32, #tpu.memory_space<vmem>>
    %dma_start3A_92 = arith.constant 0 : i32
    %dma_start3A_93 = arith.constant 0 : i32
    %dma_start3A_94 = tpu.memref_slice %arg25[%dma_start3A_92, %dma_start3A_93] : memref<520x64xf32, #tpu.memory_space<vmem_shared>> -> memref<520x64xf32, #tpu.memory_space<vmem_shared>>
    tpu.enqueue_indirect_dma source(%arg24 : memref<512x64xf32, #tpu.memory_space<vmem>>) target(%dma_start3A_94 : memref<520x64xf32, #tpu.memory_space<vmem_shared>>) offsets(%dma_start3A_91 : memref<512xi32, #tpu.memory_space<vmem>>) semaphore(%arg30 : memref<!tpu.dma_semaphore, #tpu.memory_space<semaphore_mem>>) {add = true}
    %dma_wait3A_95 = arith.constant 512 : i32
    %dma_wait3A_96 = tpu.memref_slice %arg20[%dma_wait3A_95] : memref<3072xi32, #tpu.memory_space<vmem>> -> memref<512xi32, #tpu.memory_space<vmem>>
    %dma_wait3A_97 = arith.constant 0 : i32
    %dma_wait3A_98 = arith.constant 0 : i32
    %dma_wait3A_99 = tpu.memref_slice %arg25[%dma_wait3A_97, %dma_wait3A_98] : memref<520x64xf32, #tpu.memory_space<vmem_shared>> -> memref<520x64xf32, #tpu.memory_space<vmem_shared>>
    tpu.wait_indirect_dma semaphore(%arg30 : memref<!tpu.dma_semaphore, #tpu.memory_space<semaphore_mem>>) src(%arg24 : memref<512x64xf32, #tpu.memory_space<vmem>>) dst(%dma_wait3A_99 : memref<520x64xf32, #tpu.memory_space<vmem_shared>>)
    %dma_start3A_100 = arith.constant 1536 : i32
    %dma_start3A_101 = tpu.memref_slice %arg19[%dma_start3A_100] : memref<3072xi32, #tpu.memory_space<vmem>> -> memref<512xi32, #tpu.memory_space<vmem>>
    %dma_start3A_102 = arith.constant 0 : i32
    %dma_start3A_103 = arith.constant 0 : i32
    %dma_start3A_104 = tpu.memref_slice %arg8[%dma_start3A_102, %dma_start3A_103] : memref<100001x64xf32, #tpu.memory_space<hbm>> -> memref<100001x64xf32, #tpu.memory_space<hbm>>
    tpu.enqueue_indirect_dma source(%dma_start3A_104 : memref<100001x64xf32, #tpu.memory_space<hbm>>) target(%arg24 : memref<512x64xf32, #tpu.memory_space<vmem>>) offsets(%dma_start3A_101 : memref<512xi32, #tpu.memory_space<vmem>>) semaphore(%arg28 : memref<!tpu.dma_semaphore, #tpu.memory_space<semaphore_mem>>)
    %dma_wait3A_105 = arith.constant 1024 : i32
    %dma_wait3A_106 = tpu.memref_slice %arg19[%dma_wait3A_105] : memref<3072xi32, #tpu.memory_space<vmem>> -> memref<512xi32, #tpu.memory_space<vmem>>
    %dma_wait3A_107 = arith.constant 0 : i32
    %dma_wait3A_108 = arith.constant 0 : i32
    %dma_wait3A_109 = tpu.memref_slice %arg8[%dma_wait3A_107, %dma_wait3A_108] : memref<100001x64xf32, #tpu.memory_space<hbm>> -> memref<100001x64xf32, #tpu.memory_space<hbm>>
    tpu.wait_indirect_dma semaphore(%arg27 : memref<!tpu.dma_semaphore, #tpu.memory_space<semaphore_mem>>) src(%dma_wait3A_109 : memref<100001x64xf32, #tpu.memory_space<hbm>>) dst(%arg23 : memref<512x64xf32, #tpu.memory_space<vmem>>)
    %dma_start3A_110 = arith.constant 1024 : i32
    %dma_start3A_111 = tpu.memref_slice %arg20[%dma_start3A_110] : memref<3072xi32, #tpu.memory_space<vmem>> -> memref<512xi32, #tpu.memory_space<vmem>>
    %dma_start3A_112 = arith.constant 0 : i32
    %dma_start3A_113 = arith.constant 0 : i32
    %dma_start3A_114 = tpu.memref_slice %arg25[%dma_start3A_112, %dma_start3A_113] : memref<520x64xf32, #tpu.memory_space<vmem_shared>> -> memref<520x64xf32, #tpu.memory_space<vmem_shared>>
    tpu.enqueue_indirect_dma source(%arg23 : memref<512x64xf32, #tpu.memory_space<vmem>>) target(%dma_start3A_114 : memref<520x64xf32, #tpu.memory_space<vmem_shared>>) offsets(%dma_start3A_111 : memref<512xi32, #tpu.memory_space<vmem>>) semaphore(%arg29 : memref<!tpu.dma_semaphore, #tpu.memory_space<semaphore_mem>>) {add = true}
    %dma_wait3A_115 = arith.constant 1024 : i32
    %dma_wait3A_116 = tpu.memref_slice %arg20[%dma_wait3A_115] : memref<3072xi32, #tpu.memory_space<vmem>> -> memref<512xi32, #tpu.memory_space<vmem>>
    %dma_wait3A_117 = arith.constant 0 : i32
    %dma_wait3A_118 = arith.constant 0 : i32
    %dma_wait3A_119 = tpu.memref_slice %arg25[%dma_wait3A_117, %dma_wait3A_118] : memref<520x64xf32, #tpu.memory_space<vmem_shared>> -> memref<520x64xf32, #tpu.memory_space<vmem_shared>>
    tpu.wait_indirect_dma semaphore(%arg29 : memref<!tpu.dma_semaphore, #tpu.memory_space<semaphore_mem>>) src(%arg23 : memref<512x64xf32, #tpu.memory_space<vmem>>) dst(%dma_wait3A_119 : memref<520x64xf32, #tpu.memory_space<vmem_shared>>)
    %dma_start3A_120 = arith.constant 2048 : i32
    %dma_start3A_121 = tpu.memref_slice %arg19[%dma_start3A_120] : memref<3072xi32, #tpu.memory_space<vmem>> -> memref<512xi32, #tpu.memory_space<vmem>>
    %dma_start3A_122 = arith.constant 0 : i32
    %dma_start3A_123 = arith.constant 0 : i32
    %dma_start3A_124 = tpu.memref_slice %arg8[%dma_start3A_122, %dma_start3A_123] : memref<100001x64xf32, #tpu.memory_space<hbm>> -> memref<100001x64xf32, #tpu.memory_space<hbm>>
    tpu.enqueue_indirect_dma source(%dma_start3A_124 : memref<100001x64xf32, #tpu.memory_space<hbm>>) target(%arg23 : memref<512x64xf32, #tpu.memory_space<vmem>>) offsets(%dma_start3A_121 : memref<512xi32, #tpu.memory_space<vmem>>) semaphore(%arg27 : memref<!tpu.dma_semaphore, #tpu.memory_space<semaphore_mem>>)
    %dma_wait3A_125 = arith.constant 1536 : i32
    %dma_wait3A_126 = tpu.memref_slice %arg19[%dma_wait3A_125] : memref<3072xi32, #tpu.memory_space<vmem>> -> memref<512xi32, #tpu.memory_space<vmem>>
    %dma_wait3A_127 = arith.constant 0 : i32
    %dma_wait3A_128 = arith.constant 0 : i32
    %dma_wait3A_129 = tpu.memref_slice %arg8[%dma_wait3A_127, %dma_wait3A_128] : memref<100001x64xf32, #tpu.memory_space<hbm>> -> memref<100001x64xf32, #tpu.memory_space<hbm>>
    tpu.wait_indirect_dma semaphore(%arg28 : memref<!tpu.dma_semaphore, #tpu.memory_space<semaphore_mem>>) src(%dma_wait3A_129 : memref<100001x64xf32, #tpu.memory_space<hbm>>) dst(%arg24 : memref<512x64xf32, #tpu.memory_space<vmem>>)
    %dma_start3A_130 = arith.constant 1536 : i32
    %dma_start3A_131 = tpu.memref_slice %arg20[%dma_start3A_130] : memref<3072xi32, #tpu.memory_space<vmem>> -> memref<512xi32, #tpu.memory_space<vmem>>
    %dma_start3A_132 = arith.constant 0 : i32
    %dma_start3A_133 = arith.constant 0 : i32
    %dma_start3A_134 = tpu.memref_slice %arg25[%dma_start3A_132, %dma_start3A_133] : memref<520x64xf32, #tpu.memory_space<vmem_shared>> -> memref<520x64xf32, #tpu.memory_space<vmem_shared>>
    tpu.enqueue_indirect_dma source(%arg24 : memref<512x64xf32, #tpu.memory_space<vmem>>) target(%dma_start3A_134 : memref<520x64xf32, #tpu.memory_space<vmem_shared>>) offsets(%dma_start3A_131 : memref<512xi32, #tpu.memory_space<vmem>>) semaphore(%arg30 : memref<!tpu.dma_semaphore, #tpu.memory_space<semaphore_mem>>) {add = true}
    %dma_wait3A_135 = arith.constant 1536 : i32
    %dma_wait3A_136 = tpu.memref_slice %arg20[%dma_wait3A_135] : memref<3072xi32, #tpu.memory_space<vmem>> -> memref<512xi32, #tpu.memory_space<vmem>>
    %dma_wait3A_137 = arith.constant 0 : i32
    %dma_wait3A_138 = arith.constant 0 : i32
    %dma_wait3A_139 = tpu.memref_slice %arg25[%dma_wait3A_137, %dma_wait3A_138] : memref<520x64xf32, #tpu.memory_space<vmem_shared>> -> memref<520x64xf32, #tpu.memory_space<vmem_shared>>
    tpu.wait_indirect_dma semaphore(%arg30 : memref<!tpu.dma_semaphore, #tpu.memory_space<semaphore_mem>>) src(%arg24 : memref<512x64xf32, #tpu.memory_space<vmem>>) dst(%dma_wait3A_139 : memref<520x64xf32, #tpu.memory_space<vmem_shared>>)
    %dma_start3A_140 = arith.constant 2560 : i32
    %dma_start3A_141 = tpu.memref_slice %arg19[%dma_start3A_140] : memref<3072xi32, #tpu.memory_space<vmem>> -> memref<512xi32, #tpu.memory_space<vmem>>
    %dma_start3A_142 = arith.constant 0 : i32
    %dma_start3A_143 = arith.constant 0 : i32
    %dma_start3A_144 = tpu.memref_slice %arg8[%dma_start3A_142, %dma_start3A_143] : memref<100001x64xf32, #tpu.memory_space<hbm>> -> memref<100001x64xf32, #tpu.memory_space<hbm>>
    tpu.enqueue_indirect_dma source(%dma_start3A_144 : memref<100001x64xf32, #tpu.memory_space<hbm>>) target(%arg24 : memref<512x64xf32, #tpu.memory_space<vmem>>) offsets(%dma_start3A_141 : memref<512xi32, #tpu.memory_space<vmem>>) semaphore(%arg28 : memref<!tpu.dma_semaphore, #tpu.memory_space<semaphore_mem>>)
    %dma_wait3A_145 = arith.constant 2048 : i32
    %dma_wait3A_146 = tpu.memref_slice %arg19[%dma_wait3A_145] : memref<3072xi32, #tpu.memory_space<vmem>> -> memref<512xi32, #tpu.memory_space<vmem>>
    %dma_wait3A_147 = arith.constant 0 : i32
    %dma_wait3A_148 = arith.constant 0 : i32
    %dma_wait3A_149 = tpu.memref_slice %arg8[%dma_wait3A_147, %dma_wait3A_148] : memref<100001x64xf32, #tpu.memory_space<hbm>> -> memref<100001x64xf32, #tpu.memory_space<hbm>>
    tpu.wait_indirect_dma semaphore(%arg27 : memref<!tpu.dma_semaphore, #tpu.memory_space<semaphore_mem>>) src(%dma_wait3A_149 : memref<100001x64xf32, #tpu.memory_space<hbm>>) dst(%arg23 : memref<512x64xf32, #tpu.memory_space<vmem>>)
    %dma_start3A_150 = arith.constant 2048 : i32
    %dma_start3A_151 = tpu.memref_slice %arg20[%dma_start3A_150] : memref<3072xi32, #tpu.memory_space<vmem>> -> memref<512xi32, #tpu.memory_space<vmem>>
    %dma_start3A_152 = arith.constant 0 : i32
    %dma_start3A_153 = arith.constant 0 : i32
    %dma_start3A_154 = tpu.memref_slice %arg25[%dma_start3A_152, %dma_start3A_153] : memref<520x64xf32, #tpu.memory_space<vmem_shared>> -> memref<520x64xf32, #tpu.memory_space<vmem_shared>>
    tpu.enqueue_indirect_dma source(%arg23 : memref<512x64xf32, #tpu.memory_space<vmem>>) target(%dma_start3A_154 : memref<520x64xf32, #tpu.memory_space<vmem_shared>>) offsets(%dma_start3A_151 : memref<512xi32, #tpu.memory_space<vmem>>) semaphore(%arg29 : memref<!tpu.dma_semaphore, #tpu.memory_space<semaphore_mem>>) {add = true}
    %dma_wait3A_155 = arith.constant 2048 : i32
    %dma_wait3A_156 = tpu.memref_slice %arg20[%dma_wait3A_155] : memref<3072xi32, #tpu.memory_space<vmem>> -> memref<512xi32, #tpu.memory_space<vmem>>
    %dma_wait3A_157 = arith.constant 0 : i32
    %dma_wait3A_158 = arith.constant 0 : i32
    %dma_wait3A_159 = tpu.memref_slice %arg25[%dma_wait3A_157, %dma_wait3A_158] : memref<520x64xf32, #tpu.memory_space<vmem_shared>> -> memref<520x64xf32, #tpu.memory_space<vmem_shared>>
    tpu.wait_indirect_dma semaphore(%arg29 : memref<!tpu.dma_semaphore, #tpu.memory_space<semaphore_mem>>) src(%arg23 : memref<512x64xf32, #tpu.memory_space<vmem>>) dst(%dma_wait3A_159 : memref<520x64xf32, #tpu.memory_space<vmem_shared>>)
    %dma_start3A_160 = arith.constant 0 : i32
    %dma_start3A_161 = tpu.memref_slice %arg21[%dma_start3A_160] : memref<1536xi32, #tpu.memory_space<vmem>> -> memref<512xi32, #tpu.memory_space<vmem>>
    %dma_start3A_162 = arith.constant 0 : i32
    %dma_start3A_163 = arith.constant 0 : i32
    %dma_start3A_164 = tpu.memref_slice %arg8[%dma_start3A_162, %dma_start3A_163] : memref<100001x64xf32, #tpu.memory_space<hbm>> -> memref<100001x64xf32, #tpu.memory_space<hbm>>
    tpu.enqueue_indirect_dma source(%dma_start3A_164 : memref<100001x64xf32, #tpu.memory_space<hbm>>) target(%arg23 : memref<512x64xf32, #tpu.memory_space<vmem>>) offsets(%dma_start3A_161 : memref<512xi32, #tpu.memory_space<vmem>>) semaphore(%arg27 : memref<!tpu.dma_semaphore, #tpu.memory_space<semaphore_mem>>)
    %dma_wait3A_165 = arith.constant 2560 : i32
    %dma_wait3A_166 = tpu.memref_slice %arg19[%dma_wait3A_165] : memref<3072xi32, #tpu.memory_space<vmem>> -> memref<512xi32, #tpu.memory_space<vmem>>
    %dma_wait3A_167 = arith.constant 0 : i32
    %dma_wait3A_168 = arith.constant 0 : i32
    %dma_wait3A_169 = tpu.memref_slice %arg8[%dma_wait3A_167, %dma_wait3A_168] : memref<100001x64xf32, #tpu.memory_space<hbm>> -> memref<100001x64xf32, #tpu.memory_space<hbm>>
    tpu.wait_indirect_dma semaphore(%arg28 : memref<!tpu.dma_semaphore, #tpu.memory_space<semaphore_mem>>) src(%dma_wait3A_169 : memref<100001x64xf32, #tpu.memory_space<hbm>>) dst(%arg24 : memref<512x64xf32, #tpu.memory_space<vmem>>)
    %dma_start3A_170 = arith.constant 2560 : i32
    %dma_start3A_171 = tpu.memref_slice %arg20[%dma_start3A_170] : memref<3072xi32, #tpu.memory_space<vmem>> -> memref<512xi32, #tpu.memory_space<vmem>>
    %dma_start3A_172 = arith.constant 0 : i32
    %dma_start3A_173 = arith.constant 0 : i32
    %dma_start3A_174 = tpu.memref_slice %arg25[%dma_start3A_172, %dma_start3A_173] : memref<520x64xf32, #tpu.memory_space<vmem_shared>> -> memref<520x64xf32, #tpu.memory_space<vmem_shared>>
    tpu.enqueue_indirect_dma source(%arg24 : memref<512x64xf32, #tpu.memory_space<vmem>>) target(%dma_start3A_174 : memref<520x64xf32, #tpu.memory_space<vmem_shared>>) offsets(%dma_start3A_171 : memref<512xi32, #tpu.memory_space<vmem>>) semaphore(%arg30 : memref<!tpu.dma_semaphore, #tpu.memory_space<semaphore_mem>>) {add = true}
    %dma_wait3A_175 = arith.constant 2560 : i32
    %dma_wait3A_176 = tpu.memref_slice %arg20[%dma_wait3A_175] : memref<3072xi32, #tpu.memory_space<vmem>> -> memref<512xi32, #tpu.memory_space<vmem>>
    %dma_wait3A_177 = arith.constant 0 : i32
    %dma_wait3A_178 = arith.constant 0 : i32
    %dma_wait3A_179 = tpu.memref_slice %arg25[%dma_wait3A_177, %dma_wait3A_178] : memref<520x64xf32, #tpu.memory_space<vmem_shared>> -> memref<520x64xf32, #tpu.memory_space<vmem_shared>>
    tpu.wait_indirect_dma semaphore(%arg30 : memref<!tpu.dma_semaphore, #tpu.memory_space<semaphore_mem>>) src(%arg24 : memref<512x64xf32, #tpu.memory_space<vmem>>) dst(%dma_wait3A_179 : memref<520x64xf32, #tpu.memory_space<vmem_shared>>)
    %dma_start3A_180 = arith.constant 512 : i32
    %dma_start3A_181 = tpu.memref_slice %arg21[%dma_start3A_180] : memref<1536xi32, #tpu.memory_space<vmem>> -> memref<512xi32, #tpu.memory_space<vmem>>
    %dma_start3A_182 = arith.constant 0 : i32
    %dma_start3A_183 = arith.constant 0 : i32
    %dma_start3A_184 = tpu.memref_slice %arg8[%dma_start3A_182, %dma_start3A_183] : memref<100001x64xf32, #tpu.memory_space<hbm>> -> memref<100001x64xf32, #tpu.memory_space<hbm>>
    tpu.enqueue_indirect_dma source(%dma_start3A_184 : memref<100001x64xf32, #tpu.memory_space<hbm>>) target(%arg24 : memref<512x64xf32, #tpu.memory_space<vmem>>) offsets(%dma_start3A_181 : memref<512xi32, #tpu.memory_space<vmem>>) semaphore(%arg28 : memref<!tpu.dma_semaphore, #tpu.memory_space<semaphore_mem>>)
    %dma_wait3A_185 = arith.constant 0 : i32
    %dma_wait3A_186 = tpu.memref_slice %arg21[%dma_wait3A_185] : memref<1536xi32, #tpu.memory_space<vmem>> -> memref<512xi32, #tpu.memory_space<vmem>>
    %dma_wait3A_187 = arith.constant 0 : i32
    %dma_wait3A_188 = arith.constant 0 : i32
    %dma_wait3A_189 = tpu.memref_slice %arg8[%dma_wait3A_187, %dma_wait3A_188] : memref<100001x64xf32, #tpu.memory_space<hbm>> -> memref<100001x64xf32, #tpu.memory_space<hbm>>
    tpu.wait_indirect_dma semaphore(%arg27 : memref<!tpu.dma_semaphore, #tpu.memory_space<semaphore_mem>>) src(%dma_wait3A_189 : memref<100001x64xf32, #tpu.memory_space<hbm>>) dst(%arg23 : memref<512x64xf32, #tpu.memory_space<vmem>>)
    %dma_start3A_190 = arith.constant 0 : i32
    %dma_start3A_191 = tpu.memref_slice %arg22[%dma_start3A_190] : memref<1536xi32, #tpu.memory_space<vmem>> -> memref<512xi32, #tpu.memory_space<vmem>>
    %dma_start3A_192 = arith.constant 0 : i32
    %dma_start3A_193 = arith.constant 0 : i32
    %dma_start3A_194 = tpu.memref_slice %arg26[%dma_start3A_192, %dma_start3A_193] : memref<520x64xf32, #tpu.memory_space<vmem_shared>> -> memref<520x64xf32, #tpu.memory_space<vmem_shared>>
    tpu.enqueue_indirect_dma source(%arg23 : memref<512x64xf32, #tpu.memory_space<vmem>>) target(%dma_start3A_194 : memref<520x64xf32, #tpu.memory_space<vmem_shared>>) offsets(%dma_start3A_191 : memref<512xi32, #tpu.memory_space<vmem>>) semaphore(%arg29 : memref<!tpu.dma_semaphore, #tpu.memory_space<semaphore_mem>>) {add = true}
    %dma_wait3A_195 = arith.constant 0 : i32
    %dma_wait3A_196 = tpu.memref_slice %arg22[%dma_wait3A_195] : memref<1536xi32, #tpu.memory_space<vmem>> -> memref<512xi32, #tpu.memory_space<vmem>>
    %dma_wait3A_197 = arith.constant 0 : i32
    %dma_wait3A_198 = arith.constant 0 : i32
    %dma_wait3A_199 = tpu.memref_slice %arg26[%dma_wait3A_197, %dma_wait3A_198] : memref<520x64xf32, #tpu.memory_space<vmem_shared>> -> memref<520x64xf32, #tpu.memory_space<vmem_shared>>
    tpu.wait_indirect_dma semaphore(%arg29 : memref<!tpu.dma_semaphore, #tpu.memory_space<semaphore_mem>>) src(%arg23 : memref<512x64xf32, #tpu.memory_space<vmem>>) dst(%dma_wait3A_199 : memref<520x64xf32, #tpu.memory_space<vmem_shared>>)
    %dma_start3A_200 = arith.constant 1024 : i32
    %dma_start3A_201 = tpu.memref_slice %arg21[%dma_start3A_200] : memref<1536xi32, #tpu.memory_space<vmem>> -> memref<512xi32, #tpu.memory_space<vmem>>
    %dma_start3A_202 = arith.constant 0 : i32
    %dma_start3A_203 = arith.constant 0 : i32
    %dma_start3A_204 = tpu.memref_slice %arg8[%dma_start3A_202, %dma_start3A_203] : memref<100001x64xf32, #tpu.memory_space<hbm>> -> memref<100001x64xf32, #tpu.memory_space<hbm>>
    tpu.enqueue_indirect_dma source(%dma_start3A_204 : memref<100001x64xf32, #tpu.memory_space<hbm>>) target(%arg23 : memref<512x64xf32, #tpu.memory_space<vmem>>) offsets(%dma_start3A_201 : memref<512xi32, #tpu.memory_space<vmem>>) semaphore(%arg27 : memref<!tpu.dma_semaphore, #tpu.memory_space<semaphore_mem>>)
    %dma_wait3A_205 = arith.constant 512 : i32
    %dma_wait3A_206 = tpu.memref_slice %arg21[%dma_wait3A_205] : memref<1536xi32, #tpu.memory_space<vmem>> -> memref<512xi32, #tpu.memory_space<vmem>>
    %dma_wait3A_207 = arith.constant 0 : i32
    %dma_wait3A_208 = arith.constant 0 : i32
    %dma_wait3A_209 = tpu.memref_slice %arg8[%dma_wait3A_207, %dma_wait3A_208] : memref<100001x64xf32, #tpu.memory_space<hbm>> -> memref<100001x64xf32, #tpu.memory_space<hbm>>
    tpu.wait_indirect_dma semaphore(%arg28 : memref<!tpu.dma_semaphore, #tpu.memory_space<semaphore_mem>>) src(%dma_wait3A_209 : memref<100001x64xf32, #tpu.memory_space<hbm>>) dst(%arg24 : memref<512x64xf32, #tpu.memory_space<vmem>>)
    %dma_start3A_210 = arith.constant 512 : i32
    %dma_start3A_211 = tpu.memref_slice %arg22[%dma_start3A_210] : memref<1536xi32, #tpu.memory_space<vmem>> -> memref<512xi32, #tpu.memory_space<vmem>>
    %dma_start3A_212 = arith.constant 0 : i32
    %dma_start3A_213 = arith.constant 0 : i32
    %dma_start3A_214 = tpu.memref_slice %arg26[%dma_start3A_212, %dma_start3A_213] : memref<520x64xf32, #tpu.memory_space<vmem_shared>> -> memref<520x64xf32, #tpu.memory_space<vmem_shared>>
    tpu.enqueue_indirect_dma source(%arg24 : memref<512x64xf32, #tpu.memory_space<vmem>>) target(%dma_start3A_214 : memref<520x64xf32, #tpu.memory_space<vmem_shared>>) offsets(%dma_start3A_211 : memref<512xi32, #tpu.memory_space<vmem>>) semaphore(%arg30 : memref<!tpu.dma_semaphore, #tpu.memory_space<semaphore_mem>>) {add = true}
    %dma_wait3A_215 = arith.constant 1024 : i32
    %dma_wait3A_216 = tpu.memref_slice %arg21[%dma_wait3A_215] : memref<1536xi32, #tpu.memory_space<vmem>> -> memref<512xi32, #tpu.memory_space<vmem>>
    %dma_wait3A_217 = arith.constant 0 : i32
    %dma_wait3A_218 = arith.constant 0 : i32
    %dma_wait3A_219 = tpu.memref_slice %arg8[%dma_wait3A_217, %dma_wait3A_218] : memref<100001x64xf32, #tpu.memory_space<hbm>> -> memref<100001x64xf32, #tpu.memory_space<hbm>>
    tpu.wait_indirect_dma semaphore(%arg27 : memref<!tpu.dma_semaphore, #tpu.memory_space<semaphore_mem>>) src(%dma_wait3A_219 : memref<100001x64xf32, #tpu.memory_space<hbm>>) dst(%arg23 : memref<512x64xf32, #tpu.memory_space<vmem>>)
    %dma_start3A_220 = arith.constant 1024 : i32
    %dma_start3A_221 = tpu.memref_slice %arg22[%dma_start3A_220] : memref<1536xi32, #tpu.memory_space<vmem>> -> memref<512xi32, #tpu.memory_space<vmem>>
    %dma_start3A_222 = arith.constant 0 : i32
    %dma_start3A_223 = arith.constant 0 : i32
    %dma_start3A_224 = tpu.memref_slice %arg26[%dma_start3A_222, %dma_start3A_223] : memref<520x64xf32, #tpu.memory_space<vmem_shared>> -> memref<520x64xf32, #tpu.memory_space<vmem_shared>>
    tpu.enqueue_indirect_dma source(%arg23 : memref<512x64xf32, #tpu.memory_space<vmem>>) target(%dma_start3A_224 : memref<520x64xf32, #tpu.memory_space<vmem_shared>>) offsets(%dma_start3A_221 : memref<512xi32, #tpu.memory_space<vmem>>) semaphore(%arg29 : memref<!tpu.dma_semaphore, #tpu.memory_space<semaphore_mem>>) {add = true}
    %dma_wait3A_225 = arith.constant 1024 : i32
    %dma_wait3A_226 = tpu.memref_slice %arg22[%dma_wait3A_225] : memref<1536xi32, #tpu.memory_space<vmem>> -> memref<512xi32, #tpu.memory_space<vmem>>
    %dma_wait3A_227 = arith.constant 0 : i32
    %dma_wait3A_228 = arith.constant 0 : i32
    %dma_wait3A_229 = tpu.memref_slice %arg26[%dma_wait3A_227, %dma_wait3A_228] : memref<520x64xf32, #tpu.memory_space<vmem_shared>> -> memref<520x64xf32, #tpu.memory_space<vmem_shared>>
    tpu.wait_indirect_dma semaphore(%arg29 : memref<!tpu.dma_semaphore, #tpu.memory_space<semaphore_mem>>) src(%arg23 : memref<512x64xf32, #tpu.memory_space<vmem>>) dst(%dma_wait3A_229 : memref<520x64xf32, #tpu.memory_space<vmem_shared>>)
    %dma_wait3A_230 = arith.constant 512 : i32
    %dma_wait3A_231 = tpu.memref_slice %arg22[%dma_wait3A_230] : memref<1536xi32, #tpu.memory_space<vmem>> -> memref<512xi32, #tpu.memory_space<vmem>>
    %dma_wait3A_232 = arith.constant 0 : i32
    %dma_wait3A_233 = arith.constant 0 : i32
    %dma_wait3A_234 = tpu.memref_slice %arg26[%dma_wait3A_232, %dma_wait3A_233] : memref<520x64xf32, #tpu.memory_space<vmem_shared>> -> memref<520x64xf32, #tpu.memory_space<vmem_shared>>
    tpu.wait_indirect_dma semaphore(%arg30 : memref<!tpu.dma_semaphore, #tpu.memory_space<semaphore_mem>>) src(%arg24 : memref<512x64xf32, #tpu.memory_space<vmem>>) dst(%dma_wait3A_234 : memref<520x64xf32, #tpu.memory_space<vmem_shared>>)
    %barrier3A_235 = arith.constant 0 : index
    tpu.barrier barrier_id(%barrier3A_235)
    %mul3A_236 = arith.constant 32 : i32
    %mul3A_237 = arith.muli %arg1, %mul3A_236 : i32
    "tpu.region"() ({
      %run_scoped3A = tpu.sem_alloc : memref<!tpu.dma_semaphore, #tpu.memory_space<semaphore_mem>>
      %dma_start3A_240 = arith.constant 0 : i32
      %dma_start3A_241 = arith.constant 0 : i32
      %dma_start3A_242 = tpu.memref_slice %arg23[%dma_start3A_240, %dma_start3A_241] : memref<512x64xf32, #tpu.memory_space<vmem>> -> memref<32x64xf32, #tpu.memory_space<vmem>>
      %dma_start3A_243 = arith.constant 0 : i32
      %dma_start3A_244 = tpu.memref_slice %arg25[%mul3A_237, %dma_start3A_243] : memref<520x64xf32, #tpu.memory_space<vmem_shared>> -> memref<32x64xf32, #tpu.memory_space<vmem_shared>>
      %dma_start3A_245 = arith.constant 0 : i32
      %dma_start3A_246 = arith.constant 0 : i32
      %dma_start3A_247 = tpu.memref_slice %arg23[%dma_start3A_245, %dma_start3A_246] : memref<512x64xf32, #tpu.memory_space<vmem>> -> memref<32x64xf32, #tpu.memory_space<vmem>>
      %dma_start3A_248 = arith.constant 0 : i32
      %dma_start3A_249 = tpu.memref_slice %arg25[%mul3A_237, %dma_start3A_248] : memref<520x64xf32, #tpu.memory_space<vmem_shared>> -> memref<32x64xf32, #tpu.memory_space<vmem_shared>>
      tpu.enqueue_dma source(%dma_start3A_249 : memref<32x64xf32, #tpu.memory_space<vmem_shared>>) target(%dma_start3A_247 : memref<32x64xf32, #tpu.memory_space<vmem>>) target_semaphore(%run_scoped3A : memref<!tpu.dma_semaphore, #tpu.memory_space<semaphore_mem>>)
      %dma_wait3A_250 = arith.constant 0 : i32
      %dma_wait3A_251 = arith.constant 0 : i32
      %dma_wait3A_252 = tpu.memref_slice %arg23[%dma_wait3A_250, %dma_wait3A_251] : memref<512x64xf32, #tpu.memory_space<vmem>> -> memref<32x64xf32, #tpu.memory_space<vmem>>
      %dma_wait3A_253 = arith.constant 0 : i32
      %dma_wait3A_254 = tpu.memref_slice %arg25[%mul3A_237, %dma_wait3A_253] : memref<520x64xf32, #tpu.memory_space<vmem_shared>> -> memref<32x64xf32, #tpu.memory_space<vmem_shared>>
      %dma_wait3A_255 = arith.constant 0 : i32
      %dma_wait3A_256 = arith.constant 0 : i32
      %dma_wait3A_257 = tpu.memref_slice %arg23[%dma_wait3A_255, %dma_wait3A_256] : memref<512x64xf32, #tpu.memory_space<vmem>> -> memref<32x64xf32, #tpu.memory_space<vmem>>
      %dma_wait3A_258 = arith.constant 0 : i32
      %dma_wait3A_259 = tpu.memref_slice %arg25[%mul3A_237, %dma_wait3A_258] : memref<520x64xf32, #tpu.memory_space<vmem_shared>> -> memref<32x64xf32, #tpu.memory_space<vmem_shared>>
      tpu.wait_dma2 semaphore(%run_scoped3A : memref<!tpu.dma_semaphore, #tpu.memory_space<semaphore_mem>>) src(%dma_wait3A_259 : memref<32x64xf32, #tpu.memory_space<vmem_shared>>) dst(%dma_wait3A_257 : memref<32x64xf32, #tpu.memory_space<vmem>>)
      tpu.yield
    }) : () -> ()
    %mul3A_238 = arith.constant 32 : i32
    %mul3A_239 = arith.muli %arg1, %mul3A_238 : i32
    "tpu.region"() ({
      %run_scoped3A = tpu.sem_alloc : memref<!tpu.dma_semaphore, #tpu.memory_space<semaphore_mem>>
      %dma_start3A_240 = arith.constant 0 : i32
      %dma_start3A_241 = arith.constant 0 : i32
      %dma_start3A_242 = tpu.memref_slice %arg24[%dma_start3A_240, %dma_start3A_241] : memref<512x64xf32, #tpu.memory_space<vmem>> -> memref<32x64xf32, #tpu.memory_space<vmem>>
      %dma_start3A_243 = arith.constant 0 : i32
      %dma_start3A_244 = tpu.memref_slice %arg26[%mul3A_239, %dma_start3A_243] : memref<520x64xf32, #tpu.memory_space<vmem_shared>> -> memref<32x64xf32, #tpu.memory_space<vmem_shared>>
      %dma_start3A_245 = arith.constant 0 : i32
      %dma_start3A_246 = arith.constant 0 : i32
      %dma_start3A_247 = tpu.memref_slice %arg24[%dma_start3A_245, %dma_start3A_246] : memref<512x64xf32, #tpu.memory_space<vmem>> -> memref<32x64xf32, #tpu.memory_space<vmem>>
      %dma_start3A_248 = arith.constant 0 : i32
      %dma_start3A_249 = tpu.memref_slice %arg26[%mul3A_239, %dma_start3A_248] : memref<520x64xf32, #tpu.memory_space<vmem_shared>> -> memref<32x64xf32, #tpu.memory_space<vmem_shared>>
      tpu.enqueue_dma source(%dma_start3A_249 : memref<32x64xf32, #tpu.memory_space<vmem_shared>>) target(%dma_start3A_247 : memref<32x64xf32, #tpu.memory_space<vmem>>) target_semaphore(%run_scoped3A : memref<!tpu.dma_semaphore, #tpu.memory_space<semaphore_mem>>)
      %dma_wait3A_250 = arith.constant 0 : i32
      %dma_wait3A_251 = arith.constant 0 : i32
      %dma_wait3A_252 = tpu.memref_slice %arg24[%dma_wait3A_250, %dma_wait3A_251] : memref<512x64xf32, #tpu.memory_space<vmem>> -> memref<32x64xf32, #tpu.memory_space<vmem>>
      %dma_wait3A_253 = arith.constant 0 : i32
      %dma_wait3A_254 = tpu.memref_slice %arg26[%mul3A_239, %dma_wait3A_253] : memref<520x64xf32, #tpu.memory_space<vmem_shared>> -> memref<32x64xf32, #tpu.memory_space<vmem_shared>>
      %dma_wait3A_255 = arith.constant 0 : i32
      %dma_wait3A_256 = arith.constant 0 : i32
      %dma_wait3A_257 = tpu.memref_slice %arg24[%dma_wait3A_255, %dma_wait3A_256] : memref<512x64xf32, #tpu.memory_space<vmem>> -> memref<32x64xf32, #tpu.memory_space<vmem>>
      %dma_wait3A_258 = arith.constant 0 : i32
      %dma_wait3A_259 = tpu.memref_slice %arg26[%mul3A_239, %dma_wait3A_258] : memref<520x64xf32, #tpu.memory_space<vmem_shared>> -> memref<32x64xf32, #tpu.memory_space<vmem_shared>>
      tpu.wait_dma2 semaphore(%run_scoped3A : memref<!tpu.dma_semaphore, #tpu.memory_space<semaphore_mem>>) src(%dma_wait3A_259 : memref<32x64xf32, #tpu.memory_space<vmem_shared>>) dst(%dma_wait3A_257 : memref<32x64xf32, #tpu.memory_space<vmem>>)
      tpu.yield
    }) : () -> ()
    "tpu.region"() ({
      %run_scoped3A = tpu.sem_alloc : memref<!tpu.dma_semaphore, #tpu.memory_space<semaphore_mem>>
      %dma_start3A_240 = arith.constant 0 : i32
      %dma_start3A_241 = arith.constant 0 : i32
      %dma_start3A_242 = tpu.memref_slice %arg23[%dma_start3A_240, %dma_start3A_241] : memref<512x64xf32, #tpu.memory_space<vmem>> -> memref<32x64xf32, #tpu.memory_space<vmem>>
      %dma_start3A_243 = arith.constant 0 : i32
      %dma_start3A_244 = tpu.memref_slice %arg9[%mul3A_2, %dma_start3A_243] : memref<1024x64xf32, #tpu.memory_space<hbm>> -> memref<32x64xf32, #tpu.memory_space<hbm>>
      %dma_start3A_245 = arith.constant 0 : i32
      %dma_start3A_246 = tpu.memref_slice %arg9[%mul3A_2, %dma_start3A_245] : memref<1024x64xf32, #tpu.memory_space<hbm>> -> memref<32x64xf32, #tpu.memory_space<hbm>>
      %dma_start3A_247 = arith.constant 0 : i32
      %dma_start3A_248 = arith.constant 0 : i32
      %dma_start3A_249 = tpu.memref_slice %arg23[%dma_start3A_247, %dma_start3A_248] : memref<512x64xf32, #tpu.memory_space<vmem>> -> memref<32x64xf32, #tpu.memory_space<vmem>>
      tpu.enqueue_dma source(%dma_start3A_249 : memref<32x64xf32, #tpu.memory_space<vmem>>) target(%dma_start3A_246 : memref<32x64xf32, #tpu.memory_space<hbm>>) target_semaphore(%run_scoped3A : memref<!tpu.dma_semaphore, #tpu.memory_space<semaphore_mem>>)
      %dma_wait3A_250 = arith.constant 0 : i32
      %dma_wait3A_251 = arith.constant 0 : i32
      %dma_wait3A_252 = tpu.memref_slice %arg23[%dma_wait3A_250, %dma_wait3A_251] : memref<512x64xf32, #tpu.memory_space<vmem>> -> memref<32x64xf32, #tpu.memory_space<vmem>>
      %dma_wait3A_253 = arith.constant 0 : i32
      %dma_wait3A_254 = tpu.memref_slice %arg9[%mul3A_2, %dma_wait3A_253] : memref<1024x64xf32, #tpu.memory_space<hbm>> -> memref<32x64xf32, #tpu.memory_space<hbm>>
      %dma_wait3A_255 = arith.constant 0 : i32
      %dma_wait3A_256 = tpu.memref_slice %arg9[%mul3A_2, %dma_wait3A_255] : memref<1024x64xf32, #tpu.memory_space<hbm>> -> memref<32x64xf32, #tpu.memory_space<hbm>>
      %dma_wait3A_257 = arith.constant 0 : i32
      %dma_wait3A_258 = arith.constant 0 : i32
      %dma_wait3A_259 = tpu.memref_slice %arg23[%dma_wait3A_257, %dma_wait3A_258] : memref<512x64xf32, #tpu.memory_space<vmem>> -> memref<32x64xf32, #tpu.memory_space<vmem>>
      tpu.wait_dma2 semaphore(%run_scoped3A : memref<!tpu.dma_semaphore, #tpu.memory_space<semaphore_mem>>) src(%dma_wait3A_259 : memref<32x64xf32, #tpu.memory_space<vmem>>) dst(%dma_wait3A_256 : memref<32x64xf32, #tpu.memory_space<hbm>>)
      tpu.yield
    }) : () -> ()
    "tpu.region"() ({
      %run_scoped3A = tpu.sem_alloc : memref<!tpu.dma_semaphore, #tpu.memory_space<semaphore_mem>>
      %dma_start3A_240 = arith.constant 0 : i32
      %dma_start3A_241 = arith.constant 0 : i32
      %dma_start3A_242 = tpu.memref_slice %arg24[%dma_start3A_240, %dma_start3A_241] : memref<512x64xf32, #tpu.memory_space<vmem>> -> memref<32x64xf32, #tpu.memory_space<vmem>>
      %dma_start3A_243 = arith.constant 0 : i32
      %dma_start3A_244 = tpu.memref_slice %arg10[%mul3A_2, %dma_start3A_243] : memref<1024x64xf32, #tpu.memory_space<hbm>> -> memref<32x64xf32, #tpu.memory_space<hbm>>
      %dma_start3A_245 = arith.constant 0 : i32
      %dma_start3A_246 = tpu.memref_slice %arg10[%mul3A_2, %dma_start3A_245] : memref<1024x64xf32, #tpu.memory_space<hbm>> -> memref<32x64xf32, #tpu.memory_space<hbm>>
      %dma_start3A_247 = arith.constant 0 : i32
      %dma_start3A_248 = arith.constant 0 : i32
      %dma_start3A_249 = tpu.memref_slice %arg24[%dma_start3A_247, %dma_start3A_248] : memref<512x64xf32, #tpu.memory_space<vmem>> -> memref<32x64xf32, #tpu.memory_space<vmem>>
      tpu.enqueue_dma source(%dma_start3A_249 : memref<32x64xf32, #tpu.memory_space<vmem>>) target(%dma_start3A_246 : memref<32x64xf32, #tpu.memory_space<hbm>>) target_semaphore(%run_scoped3A : memref<!tpu.dma_semaphore, #tpu.memory_space<semaphore_mem>>)
      %dma_wait3A_250 = arith.constant 0 : i32
      %dma_wait3A_251 = arith.constant 0 : i32
      %dma_wait3A_252 = tpu.memref_slice %arg24[%dma_wait3A_250, %dma_wait3A_251] : memref<512x64xf32, #tpu.memory_space<vmem>> -> memref<32x64xf32, #tpu.memory_space<vmem>>
      %dma_wait3A_253 = arith.constant 0 : i32
      %dma_wait3A_254 = tpu.memref_slice %arg10[%mul3A_2, %dma_wait3A_253] : memref<1024x64xf32, #tpu.memory_space<hbm>> -> memref<32x64xf32, #tpu.memory_space<hbm>>
      %dma_wait3A_255 = arith.constant 0 : i32
      %dma_wait3A_256 = tpu.memref_slice %arg10[%mul3A_2, %dma_wait3A_255] : memref<1024x64xf32, #tpu.memory_space<hbm>> -> memref<32x64xf32, #tpu.memory_space<hbm>>
      %dma_wait3A_257 = arith.constant 0 : i32
      %dma_wait3A_258 = arith.constant 0 : i32
      %dma_wait3A_259 = tpu.memref_slice %arg24[%dma_wait3A_257, %dma_wait3A_258] : memref<512x64xf32, #tpu.memory_space<vmem>> -> memref<32x64xf32, #tpu.memory_space<vmem>>
      tpu.wait_dma2 semaphore(%run_scoped3A : memref<!tpu.dma_semaphore, #tpu.memory_space<semaphore_mem>>) src(%dma_wait3A_259 : memref<32x64xf32, #tpu.memory_space<vmem>>) dst(%dma_wait3A_256 : memref<32x64xf32, #tpu.memory_space<hbm>>)
      tpu.yield
    }) : () -> ()
    return
  }
}

module attributes {stable_mosaic.version = 14 : i64} {
  func.func @_tc_loss_body(%arg0: memref<1024x64xf32, #tpu.memory_space<vmem>>, %arg1: memref<1024x64xf32, #tpu.memory_space<vmem>>, %arg2: memref<1024x1xf32, #tpu.memory_space<vmem>>, %arg3: memref<1024x1xf32, #tpu.memory_space<vmem>>, %arg4: memref<1024x1xf32, #tpu.memory_space<vmem>>, %arg5: memref<1x64xf32, #tpu.memory_space<vmem>>, %arg6: memref<1x1xf32, #tpu.memory_space<vmem>>) attributes {dimension_semantics = [], scalar_prefetch = 0 : i64, scratch_operands = 0 : i64, tpu.core_type = #tpu.core_type<tc>} {
    %get3A = arith.constant 0 : index
    %get3A_0 = arith.constant 0 : index
    %get3A_1 = vector.load %arg0[%get3A, %get3A_0] : memref<1024x64xf32, #tpu.memory_space<vmem>>, vector<1024x64xf32>
    %get3A_2 = arith.constant 0 : index
    %get3A_3 = arith.constant 0 : index
    %get3A_4 = vector.load %arg2[%get3A_2, %get3A_3] : memref<1024x1xf32, #tpu.memory_space<vmem>>, vector<1024x1xf32>
    %get3A_5 = arith.constant 0 : index
    %get3A_6 = arith.constant 0 : index
    %get3A_7 = vector.load %arg5[%get3A_5, %get3A_6] : memref<1x64xf32, #tpu.memory_space<vmem>>, vector<1x64xf32>
    %mul3A = vector.broadcast %get3A_4 : vector<1024x1xf32> to vector<1024x64xf32>
    %mul3A_8 = vector.broadcast %get3A_7 : vector<1x64xf32> to vector<1024x64xf32>
    %mul3A_9 = arith.mulf %mul3A, %mul3A_8 : vector<1024x64xf32>
    %add3A = arith.addf %get3A_1, %mul3A_9 : vector<1024x64xf32>
    %get3A_10 = arith.constant 0 : index
    %get3A_11 = arith.constant 0 : index
    %get3A_12 = vector.load %arg3[%get3A_10, %get3A_11] : memref<1024x1xf32, #tpu.memory_space<vmem>>, vector<1024x1xf32>
    %div3A = vector.broadcast %get3A_12 : vector<1024x1xf32> to vector<1024x64xf32>
    %div3A_13 = arith.divf %add3A, %div3A : vector<1024x64xf32>
    %get3A_14 = arith.constant 0 : index
    %get3A_15 = arith.constant 0 : index
    %get3A_16 = vector.load %arg1[%get3A_14, %get3A_15] : memref<1024x64xf32, #tpu.memory_space<vmem>>, vector<1024x64xf32>
    %get3A_17 = arith.constant 0 : index
    %get3A_18 = arith.constant 0 : index
    %get3A_19 = vector.load %arg4[%get3A_17, %get3A_18] : memref<1024x1xf32, #tpu.memory_space<vmem>>, vector<1024x1xf32>
    %div3A_20 = vector.broadcast %get3A_19 : vector<1024x1xf32> to vector<1024x64xf32>
    %div3A_21 = arith.divf %get3A_16, %div3A_20 : vector<1024x64xf32>
    %dot_general3A = arith.constant dense<0.000000e+00> : vector<1024x1024xf32>
    %dot_general3A_22 = tpu.matmul %div3A_13, %div3A_21, %dot_general3A {dimension_numbers = #tpu.dot_dimension_numbers<[1], [1], [0], [0], [0, 0, 1, 0], [], []>, precision = #tpu.contract_precision<fp32>, transpose_lhs_hint = false} : vector<1024x64xf32>, vector<1024x64xf32>, vector<1024x1024xf32> -> vector<1024x1024xf32>
    %dot_general3A_23 = arith.constant dense<0.000000e+00> : vector<1024x1024xf32>
    %dot_general3A_24 = tpu.matmul %div3A_13, %div3A_13, %dot_general3A_23 {dimension_numbers = #tpu.dot_dimension_numbers<[1], [1], [0], [0], [0, 0, 1, 0], [], []>, precision = #tpu.contract_precision<fp32>, transpose_lhs_hint = false} : vector<1024x64xf32>, vector<1024x64xf32>, vector<1024x1024xf32> -> vector<1024x1024xf32>
    %iota3A = tpu.iota {dimensions = array<i32: 0>} : vector<1024x1024xi32>
    %iota3A_25 = tpu.iota {dimensions = array<i32: 1>} : vector<1024x1024xi32>
    %eq3A = arith.cmpi eq, %iota3A, %iota3A_25 : vector<1024x1024xi32>
    %jit3A = arith.constant -1.000000e+30 : f32
    %broadcast_in_dim3A = vector.broadcast %jit3A : f32 to vector<1024x1024xf32>
    %select_n3A = arith.select %eq3A, %broadcast_in_dim3A, %dot_general3A_24 : vector<1024x1024xi1>, vector<1024x1024xf32>
    %reduce_max3A = arith.constant dense<0xFF800000> : vector<1024xf32>
    %reduce_max3A_26 = vector.multi_reduction <maximumf>, %dot_general3A_22, %reduce_max3A [1] : vector<1024x1024xf32> to vector<1024xf32>
    %broadcast_in_dim3A_27 = vector.shape_cast %reduce_max3A_26 : vector<1024xf32> to vector<1024x1xf32>
    %reduce_max3A_28 = arith.constant dense<0xFF800000> : vector<1024xf32>
    %reduce_max3A_29 = vector.multi_reduction <maximumf>, %select_n3A, %reduce_max3A_28 [1] : vector<1024x1024xf32> to vector<1024xf32>
    %broadcast_in_dim3A_30 = vector.shape_cast %reduce_max3A_29 : vector<1024xf32> to vector<1024x1xf32>
    %max3A = arith.maximumf %broadcast_in_dim3A_27, %broadcast_in_dim3A_30 : vector<1024x1xf32>
    %sub3A = vector.broadcast %max3A : vector<1024x1xf32> to vector<1024x1024xf32>
    %sub3A_31 = arith.subf %dot_general3A_22, %sub3A : vector<1024x1024xf32>
    %exp3A = math.exp %sub3A_31 : vector<1024x1024xf32>
    %reduce_sum3A = arith.constant dense<0.000000e+00> : vector<1024xf32>
    %reduce_sum3A_32 = vector.multi_reduction <add>, %exp3A, %reduce_sum3A [1] : vector<1024x1024xf32> to vector<1024xf32>
    %broadcast_in_dim3A_33 = vector.shape_cast %reduce_sum3A_32 : vector<1024xf32> to vector<1024x1xf32>
    %sub3A_34 = vector.broadcast %max3A : vector<1024x1xf32> to vector<1024x1024xf32>
    %sub3A_35 = arith.subf %select_n3A, %sub3A_34 : vector<1024x1024xf32>
    %exp3A_36 = math.exp %sub3A_35 : vector<1024x1024xf32>
    %reduce_sum3A_37 = arith.constant dense<0.000000e+00> : vector<1024xf32>
    %reduce_sum3A_38 = vector.multi_reduction <add>, %exp3A_36, %reduce_sum3A_37 [1] : vector<1024x1024xf32> to vector<1024xf32>
    %broadcast_in_dim3A_39 = vector.shape_cast %reduce_sum3A_38 : vector<1024xf32> to vector<1024x1xf32>
    %add3A_40 = arith.addf %broadcast_in_dim3A_33, %broadcast_in_dim3A_39 : vector<1024x1xf32>
    %log3A = math.log %add3A_40 : vector<1024x1xf32>
    %add3A_41 = arith.addf %max3A, %log3A : vector<1024x1xf32>
    %jit3A_42 = arith.constant 0.000000e+00 : f32
    %broadcast_in_dim3A_43 = vector.broadcast %jit3A_42 : f32 to vector<1024x1024xf32>
    %select_n3A_44 = arith.select %eq3A, %dot_general3A_22, %broadcast_in_dim3A_43 : vector<1024x1024xi1>, vector<1024x1024xf32>
    %reduce_sum3A_45 = arith.constant dense<0.000000e+00> : vector<1024xf32>
    %reduce_sum3A_46 = vector.multi_reduction <add>, %select_n3A_44, %reduce_sum3A_45 [1] : vector<1024x1024xf32> to vector<1024xf32>
    %broadcast_in_dim3A_47 = vector.shape_cast %reduce_sum3A_46 : vector<1024xf32> to vector<1024x1xf32>
    %sub3A_48 = arith.subf %add3A_41, %broadcast_in_dim3A_47 : vector<1024x1xf32>
    %reduce_sum3A_49 = vector.shape_cast %sub3A_48 : vector<1024x1xf32> to vector<1x1024x1xf32>
    %reduce_sum3A_50 = arith.constant dense<0.000000e+00> : vector<1xf32>
    %reduce_sum3A_51 = vector.multi_reduction <add>, %reduce_sum3A_49, %reduce_sum3A_50 [1, 2] : vector<1x1024x1xf32> to vector<1xf32>
    %reduce_sum3A_52 = vector.shape_cast %reduce_sum3A_51 : vector<1xf32> to vector<1x1x1xf32>
    %reduce_sum3A_53 = vector.extract %reduce_sum3A_52[0, 0, 0] : f32 from vector<1x1x1xf32>
    %div3A_54 = arith.constant 1.024000e+03 : f32
    %div3A_55 = arith.divf %reduce_sum3A_53, %div3A_54 : f32
    %reshape3A = vector.broadcast %div3A_55 : f32 to vector<1x1xf32>
    %swap3A = arith.constant 0 : index
    %swap3A_56 = arith.constant 0 : index
    %swap3A_57 = vector.load %arg6[%swap3A, %swap3A_56] : memref<1x1xf32, #tpu.memory_space<vmem>>, vector<1x1xf32>
    tpu.vector_store %arg6[%swap3A, %swap3A_56], %reshape3A {strides = array<i32>} : memref<1x1xf32, #tpu.memory_space<vmem>>, vector<1x1xf32>,
    return
  }
}

</mosaic_0001>

<sc_bundles>
// kernel: kernel.4.cloned.1.call-start
scs
__scs_entry_jumppad:
0x0: {  	(pc) =	sbr.rel $0x88, $3  }
0x1: {  	(tag) =	ssettag $0x0;
	lr =	simm.s32 $0x1  }
0x2: {  	[smem:$0x3F9E] =	sst lr;
	_ =	strace $0xD0000000  }
0x3: {  	_ = 	snop  }
0x4: {  	_ = 	snop  }
0x5: {  	_ = 	snop  }
0x6: {  	_ = 	snop  }
0x7: {  	_ = 	snop  }
__scs_overlays_trampoline_lowered:
0x8: {  	[smem:$0x3FAD] =	sst s0  }
0x9: {  	[smem:$0x3FAE] =	sst s1  }
0xa: {  	[smem:$0x3FAF] =	sst s2  }
0xb: {  	[smem:$0x3FB0] =	sst s3  }
0xc: {  	[smem:$0x3FB1] =	sst s4  }
0xd: {  	[smem:$0x3FB2] =	sst s5  }
0xe: {  	[smem:$0x3FB3] =	sst s6  }
0xf: {  	[smem:$0x3FB4] =	sst s7  }
0x10: {  	[smem:$0x3FB5] =	sst s8  }
0x11: {  	[smem:$0x3FB6] =	sst s9;
	s0 =	simm.s32 @!p0 $0x0  }
0x12: {  	s1 =	sld [smem:$0x3F9C];
	s0 =	simm.s32 @p0 $0x1  }
0x13: {  	[smem:$0x3FB7] =	sst s0;
	s0 =	simm.s32 @!p1 $0x0  }
0x14: {  	s2 =	sld [smem:$0x3F9B];
	s0 =	simm.s32 @p1 $0x1  }
0x15: {  	[smem:$0x3FB8] =	sst s0;
	s0 =	simm.s32 @!p2 $0x0  }
0x16: {  	s3 =	sld [smem:$0x3FDB];
	s0 =	simm.s32 @p2 $0x1  }
0x17: {  	s4 =	simm.s32 $0x1BF5;
	[smem:$0x3FBA] =	sst s0  }
0x18: {  	s0 =	sld [smem:$0x3F9D];
	_ =	swait.ge [sflag:s4], $0x0  }
0x19: {  	s7 =	sld [smem:$0x3F9E]  }
0x1a: {  	s8 =	sadd.s32 $0xFFFFE003, lr  }
0x1b: {  	s9 =	sadd.s32 $0xFFFFFEF7, lr;
	s5 =	simm.s32 $0xFFFFFFFF;
	p2 =	slt.u32 s8, $0xFFFFF086  }
0x1c: {  	p1 =	slt.u32 s9, $0xF7A;
	s5 =	simm.s32 @!p2 $0x0  }
0x1d: {  	s5 =	simm.s32 @p1 $0x1;
	p0 =	seq.s32 s7, s2  }
0x1e: {  	s7 =	smul.u32 @!p0 $0xF7A, s2;
	p2 =	seq.s32 @!p0 s5, $0x0  }
0x1f: {  	s9 =	smul.u32 $0xF7A, s1;
	s8 =	simm.s32 @!p0 $0x1BF5;
	p2 =	por !p2, p0  }
0x20: {  	[sflag:s8] =	ssyncset.s32 @!p0 $0xFFFFF086;
	s6 =	sadd.s32 @!p0 s3, s7;
	s7 =	simm.s32 @!p0 $0x108  }
0x21: {  	s3 =	sadd.s32 s3, s9;
	s6 =	sadd.s32 @!p0 $0x88, s6;
	s7 =	simm.s32 @p2 $0x1082  }
0x22: {  	[simem:s7], [sflag:s8] =	dma.local @!p0 [hbm:s6], $0xF7A  }
0x23: {  	s9 =	sor.u32 $0xD0000000, s2;
	s6 =	simm.s32 $0x108;
	_ =	swait.ge @!p0 [sflag:s8], $0x0  }
0x24: {  	s3 =	sadd.s32 $0x88, s3;
	s6 =	simm.s32 @!p1 $0x1082;
	[sflag:s4] =	ssyncset.s32 $0xFFFFF086  }
0x25: {  	[simem:s6], [sflag:s4] =	dma.local [hbm:s3], $0xF7A  }
0x26: {  	[smem:$0x3F9E] =	sst s1;
	(tag) =	ssettag s2;
	_ =	strace s9  }
0x27: {  	s1 =	sld [smem:$0x3FAE]  }
0x28: {  	s2 =	sld [smem:$0x3FAF]  }
0x29: {  	s4 =	sld [smem:$0x3FB1]  }
0x2a: {  	p0 =	seq.s32 s5, $0x0;
	s5 =	sld [smem:$0x3FB2]  }
0x2b: {  	s6 =	sld [smem:$0x3FB3]  }
0x2c: {  	s7 =	sld [smem:$0x3FB4]  }
0x2d: {  	s3 =	simm.s32 $0x108;
	s8 =	sld [smem:$0x3FB5]  }
0x2e: {  	s3 =	simm.s32 @!p0 $0x1082;
	s9 =	sld [smem:$0x3FB6]  }
0x2f: {  	lr =	sadd.s32 s0, s3;
	s0 =	sld [smem:$0x3FAD]  }
0x30: {  	s3 =	sld [smem:$0x3FB0]  }
0x31: {  	[smem:$0x3FB9] =	sst s10  }
0x32: {  	s10 =	sld [smem:$0x3FB7];
	_ =	sdelay $0x3  }
0x33: {  	p0 =	seq.s32 s10, $0x1;
	s10 =	sld [smem:$0x3FB9];
	_ =	sdelay $0x3  }
0x34: {  	[smem:$0x3FB9] =	sst s10  }
0x35: {  	s10 =	sld [smem:$0x3FB8];
	_ =	sdelay $0x3  }
0x36: {  	p1 =	seq.s32 s10, $0x1;
	s10 =	sld [smem:$0x3FB9];
	_ =	sdelay $0x3  }
0x37: {  	[smem:$0x3FB9] =	sst s10  }
0x38: {  	s10 =	sld [smem:$0x3FBA]  }
0x39: {  	_ = 	snop;
	(pc) =	sbr.ind lr, $3  }
0x3a: {  	_ = 	snop  }
0x3b: {  	_ = 	snop  }
0x3c: {  	p2 =	seq.s32 s10, $0x1;
	s10 =	sld [smem:$0x3FB9]  }
0x3d: {  	_ =	shalt  }
0x3e: {  	_ =	shalt  }
0x3f: {  	_ =	shalt  }
0x40: {  	_ =	shalt  }
0x41: {  	_ =	shalt  }
0x42: {  	_ =	shalt  }
0x43: {  	_ =	shalt  }
0x44: {  	_ =	shalt  }
0x45: {  	_ =	shalt  }
0x46: {  	_ =	shalt  }
0x47: {  	_ =	shalt  }
0x48: {  	_ =	shalt  }
0x49: {  	_ =	shalt  }
0x4a: {  	_ =	shalt  }
0x4b: {  	_ =	shalt  }
0x4c: {  	_ =	shalt  }
0x4d: {  	_ =	shalt  }
0x4e: {  	_ =	shalt  }
0x4f: {  	_ =	shalt  }
0x50: {  	_ =	shalt  }
0x51: {  	_ =	shalt  }
0x52: {  	_ =	shalt  }
0x53: {  	_ =	shalt  }
0x54: {  	_ =	shalt  }
0x55: {  	_ =	shalt  }
0x56: {  	_ =	shalt  }
0x57: {  	_ =	shalt  }
0x58: {  	_ =	shalt  }
0x59: {  	_ =	shalt  }
0x5a: {  	_ =	shalt  }
0x5b: {  	_ =	shalt  }
0x5c: {  	_ =	shalt  }
0x5d: {  	_ =	shalt  }
0x5e: {  	_ =	shalt  }
0x5f: {  	_ =	shalt  }
0x60: {  	_ =	shalt  }
0x61: {  	_ =	shalt  }
0x62: {  	_ =	shalt  }
0x63: {  	_ =	shalt  }
0x64: {  	_ =	shalt  }
0x65: {  	_ =	shalt  }
0x66: {  	_ =	shalt  }
0x67: {  	_ =	shalt  }
0x68: {  	_ =	shalt  }
0x69: {  	_ =	shalt  }
0x6a: {  	_ =	shalt  }
0x6b: {  	_ =	shalt  }
0x6c: {  	_ =	shalt  }
0x6d: {  	_ =	shalt  }
0x6e: {  	_ =	shalt  }
0x6f: {  	_ =	shalt  }
0x70: {  	_ =	shalt  }
0x71: {  	_ =	shalt  }
0x72: {  	_ =	shalt  }
0x73: {  	_ =	shalt  }
0x74: {  	_ =	shalt  }
0x75: {  	_ =	shalt  }
0x76: {  	_ =	shalt  }
0x77: {  	_ =	shalt  }
0x78: {  	_ =	shalt  }
0x79: {  	_ =	shalt  }
0x7a: {  	_ =	shalt  }
0x7b: {  	_ =	shalt  }
0x7c: {  	_ =	shalt  }
0x7d: {  	_ =	shalt  }
0x7e: {  	_ =	shalt  }
0x7f: {  	_ =	shalt  }
0x80: {  	_ =	shalt  }
0x81: {  	_ =	shalt  }
0x82: {  	_ =	shalt  }
0x83: {  	_ =	shalt  }
0x84: {  	_ =	shalt  }
0x85: {  	_ =	shalt  }
0x86: {  	_ =	shalt  }
0x87: {  	_ =	shalt  }
.Lfunc_end0:
.L_simem_size_0:
called_computation_lowered:
.L_overlay_start_0:
0x88: {  	s2 =	sld [smem:$0x3FD9]  }
0x89: {  	s3 =	sld [smem:$0x3FFE];
	_ =	sdelay $0x1  }
0x8a: {  	s1 =	srdreg.scid  }
0x8b: {  	s0 =	sand.u32 $0x1, s1  }
0x8c: {  	s17 =	sshll.u32 s0, $0xA;
	s2 =	sadd.s32 s3, s2  }
0x8d: {  	s2 =	sadd.s32 s2, s17  }
0x8e: {  	[smem:$0x3FC5] =	sst s2  }
0x8f: {  	_ = 	snop  }
0x90: {  	s2 =	sld [smem:$0x3FC8];
	(tm) =	ssettm $0x1  }
0x91: {  	s18 =	sld [smem:$0x3FFB];
	_ =	sdelay $0x3  }
0x92: {  	_ =	strace s18  }
0x93: {  	s3 =	sld [smem:$0x3FFC];
	_ =	sdelay $0x3  }
0x94: {  	_ =	strace s3  }
0x95: {  	s3 =	sld [smem:$0x3FFD];
	_ =	sdelay $0x3  }
0x96: {  	_ =	strace s3  }
0x97: {  	_ =	strace $0x8FFFFFFF  }
0x98: {  	s19 =	sld [smem:$0x3FDB];
	_ =	sdelay $0x1  }
0x99: {  	s4 =	simm.s32 $_scs_section_size  }
0x9a: {  	s5 =	simm.s32 $_size__tile_overlayer_lowered;
	s6 =	simm.s32 $_tile_overlayer_lowered  }
0x9b: {  	s22 =	simm.s32 $0x1BFF;
	s21 =	sshll.u32 s6, $0x1;
	s3 =	sadd.s32 s4, s19  }
0x9c: {  	s7 =	simm.s32 $0x0;
	s20 =	sshll.u32 s5, $0x1;
	s5 =	sadd.s32 s21, s3  }
0x9d: {  	[timem:s7], [sflag:s22] =	dma.local [hbm:s5], s20  }
0x9e: {  	_ =	swait.ge [sflag:s22], s20  }
0x9f: {  	s4 =	ssub.s32 $0x0, s20;
	[sflag:s22] =	ssyncset.done $0x0  }
0xa0: {  	[sflag:s22] =	ssyncadd.s32 s4;
	_ =	sdelay $0x1  }
0xa1: {  	s23 =	simm.s32 $0x1B8B  }
0xa2: {  	_ =	swait.ge [sflag:s23], $0x1  }
0xa3: {  	[sflag:s23] =	ssyncset.done $0x0  }
0xa4: {  	s25 =	simm.s32 $0x1B8E;
	s24 =	sld [smem:$0x3FFE];
	[sflag:s23] =	ssyncadd.s32 $0xFFFFFFFF  }
0xa5: {  	s26 =	simm.s32 $execute0_lowered;
	[smem:$0x3FD2] =	sst s25  }
0xa6: {  	s5 =	sshll.u32 s26, $0x1;
	_ =	strace $0x80000046;
	[dreg:$0x1] =	wrdreg $0xFFFFFFFF  }
0xa7: {  	s28 =	simm.s32 $_size_execute0_lowered;
	s3 =	sadd.s32 s3, s5;
	[dreg:$0x0] =	wrdreg $0x0  }
0xa8: {  	s5 =	sshll.u32 s28, $0x1;
	[dreg:$0x2] =	wrdreg s3  }
0xa9: {  	[dreg:$0x3] =	wrdreg s5  }
0xaa: {  	[dreg:$0x4] =	wrdreg $0xC0  }
0xab: {  	_ =	task [dreg:s7], $0x5FFFF  }
0xac: {  	[dreg:$0x1] =	wrdreg $0xFFFFFFFF  }
0xad: {  	[dreg:$0x0] =	wrdreg $0x60  }
0xae: {  	[dreg:$0x2] =	wrdreg s24  }
0xaf: {  	[dreg:$0x3] =	wrdreg s2  }
0xb0: {  	[dreg:$0x4] =	wrdreg $0x162800  }
0xb1: {  	[dreg:$0x5] =	wrdreg $0x16AA00  }
0xb2: {  	[dreg:$0x6] =	wrdreg $0x9  }
0xb3: {  	_ =	task.clear_ibuf [dreg:s7], $0x7FFFF;
	_ =	strace $0x90000046  }
0xb4: {  	s29 =	simm.s32 $0x9;
	_ =	strace $0x80000048  }
0xb5: {  	_ =	swait.ge [sflag:s29], $0x1  }
0xb6: {  	[sflag:s29] =	ssyncadd.s32 $0xFFFFFFFF  }
0xb7: {  	_ =	strace $0x90000048  }
0xb8: {  	_ =	sfence  }
0xb9: {  	s30 =	sld [smem:$0x0];
	_ =	sdelay $0x2  }
0xba: {  	s31 =	sshll.u32 s1, $0xD;
	s1 =	sshrl.u32 s1, $0x2  }
0xbb: {  	s3 =	sand.u32 $0x4000, s31;
	s1 =	sadd.s32 s1, s30  }
0xbc: {  	s0 =	sor.u32 s3, s0;
	s1 =	sshll.u32 s1, $0x11  }
0xbd: {  	s0 =	sor.u32 s1, s0  }
0xbe: {  	s0 =	sadd.s32 $0x8F2B, s0  }
0xbf: {  	[sflag:s0] =	ssyncadd.remote.s32 $0x1  }
0xc0: {  	_ =	sfence.sel $0xFFFF  }
0xc1: {  	[dreg:$0x0] =	wrdreg $0xFFFFFFFF;
	(pc) =	sbr.abs _section_cstart, $3  }
0xc2: {  	[dreg:$0x1] =	wrdreg $0xFFFFFFFF  }
0xc3: {  	_ =	task.clear_ibuf [dreg:s7], $0x2FFFF;
	_ =	strace $0x9FFFFFFF  }
0xc4: {  	(tm) =	ssettm $0x7FFFFFFF  }
0xc5: {  	_ =	shalt  }
tec
execute0_lowered:
.L_overlay_start_1:
0x0: {  	(tag) =	ssettag $0x1  }
0x1: {  	s0 =	rddreg [dreg:$0x0]  }
0x2: {  	s1 =	srdreg.scid;
	s7 =	rddreg [dreg:$0x1]  }
0x3: {  	s8 =	stileid.u32;
	s2 =	rddreg [dreg:$0x3];
	s19 =	simm.s32 $0x6280  }
0x4: {  	s20 =	simm.s32 $0x5;
	s21 =	simm.s32 $0x1900;
	s28 =	simm.s32 $0x200  }
0x5: {  	s31 =	simm.s32 $0xE280;
	s30 =	simm.s32 $0x2;
	s29 =	simm.s32 $0x4  }
0x6: {  	s5 =	sand.u32 $0x1, s1;
	s1 =	rddreg [dreg:$0x2];
	s23 =	sshll.u32 s8, $0xB  }
0x7: {  	s24 =	sadd.s32 $0x8000, s2;
	p0 =	sne.s32 s8, $0x0;
	s3 =	sshll.u32 s5, $0x4  }
0x8: {  	s5 =	ssub.s32 $0x2, s5;
	s12 =	sadd.s32 $0x8000, s1;
	s6 =	sor.u32 s8, s3  }
0x9: {  	s3 =	simm.s32 $0x0;
	s22 =	sshrl.u32 s5, $0x1;
	s4 =	smul.u32 $0x320, s6  }
0xa: {  	[smem:$0x7FF] =	sst s3;
	s9 =	smul.u32 $0x180, s6;
	s11 =	sshll.u32 s6, $0x8  }
0xb: {  	s14 =	sshll.u32 s6, $0x2;
	s18 =	ssub.s32 s5, s22;
	s22 =	sshll.u32 s8, $0x5  }
0xc: {  	s5 =	sadd.s32 s23, s1;
	s6 =	sadd.s32 s23, s2;
	s23 =	simm.s32 $0x3  }
0xd: {  	_ =	strace $0x80000047;
	s11 =	sadd.s32 s11, s0;
	[dreg:$0x5] =	wrdreg s12  }
0xe: {  	[dreg:$0x6] =	wrdreg s24;
	s18 =	smax.u32 s18, $0x1;
	s24 =	simm.s32 $0x3E20  }
0xf: {  	v1 =	vmov s22;
	s22 =	simm.s32 $0x0;
	s10 =	sadd.s32 s4, s0;
	s9 =	sadd.s32 s9, s0  }
0x10: {  	s4 =	sadd.s32 $0x18E400, s0;
	s0 =	sadd.s32 s14, s0;
	s16 =	sadd.s32 $0x25AE00, s11  }
0x11: {  	s14 =	sadd.s32 s7, s14;
	s17 =	sadd.s32 $0x25CE00, s11;
	s25 =	sadd.s32 $0x1000, s10  }
0x12: {  	v0 =	vlaneseq.u32;
	s10 =	sadd.s32 $0x251A00, s10;
	s9 =	sadd.s32 $0x257E00, s9;
	[dreg:$0x7] =	wrdreg s25  }
0x13: {  	v4 =	vmul.u32 $0xC8, v0;
	s26 =	sadd.s32 $0x7600, s0;
	s13 =	sadd.s32 $0x7400, s0;
	[dreg:$0x8] =	wrdreg s10  }
0x14: {  	v2 =	vimm.f32 $0.0e+00;
	s15 =	sadd.s32 $0x25EE00, s0;
	s0 =	simm.s32 $0x1;
	[dreg:$0x9] =	wrdreg s9  }
0x15: {  	v5 =	vimm.s32 $0x0;
	v3 =	vadd.s32 $0xFFFFFFFF, v4;
	v4 =	vadd.s32 $0xC7F, v4;
	[dreg:$0xa] =	wrdreg s26;
	s25 =	simm.s32 $0x3E40;
	s26 =	simm.s32 $0x3E60  }
.LBB2_1:
0x16: {  	s8 =	simm.s32 $0x100;
	s7 =	simm.s32 $0x0  }
.LBB2_2:
0x17: {  	p1 =	sne.s32 s8, $0x1F00;
	[tilespmem:s7+$0x62B0] =	vst v2;
	s9 =	smov.u32 s8;
	s8 =	sadd.s32 $0x100, s8  }
.Ltmp0:
0x18: {  	[tilespmem:s7+$0x62A0] =	vst v2;
	(pc) =	sbr.rel @p1 .LBB2_2-.Ltmp0, $3  }
0x19: {  	[tilespmem:s7+$0x6280] =	vst v2  }
0x1a: {  	[tilespmem:s7+$0x6290] =	vst v2;
	_ =	sdelay $0x1  }
0x1b: {  	s7 =	sshra.s32 s9, $0x2  }
0x1c: {  	[tilespmem:s7+$0x62B0] =	vst v2  }
0x1d: {  	[tilespmem:s7+$0x62A0] =	vst v2  }
0x1e: {  	[tilespmem:s7+$0x6280] =	vst v2  }
0x1f: {  	[tilespmem:s7+$0x6290] =	vst v2  }
0x20: {  	[spmem:s5] =	stream.linear.scatter [tilespmem:s19], [sflag:$0x5], $0x800, $0x38;
	[tilespmem:$0x172C0] =	vst v63  }
0x21: {  	_ =	swait.ge [sflag:s20], $0x800  }
0x22: {  	[sflag:s20] =	ssyncset.done $0x0  }
0x23: {  	[sflag:s20] =	ssyncadd.s32 $0xFFFFF800  }
0x24: {  	[spmem:s6] =	stream.linear.scatter [tilespmem:s19], [sflag:$0x5], $0x800, $0x38;
	[tilespmem:$0x172C0] =	vst v63  }
0x25: {  	_ =	swait.ge [sflag:s20], $0x800  }
0x26: {  	[sflag:s20] =	ssyncset.done $0x0  }
0x27: {  	s7 =	simm.s32 @!p0 $0x6280;
	s8 =	rddreg [dreg:$0x5];
	[sflag:s20] =	ssyncadd.s32 $0xFFFFF800  }
0x28: {  	[spmem:s8] =	stream.linear.scatter @!p0 [tilespmem:s7], [sflag:$0x5], $0x200, $0x38;
	[tilespmem:$0x172C0] =	vst v63  }
0x29: {  	s8 =	simm.s32 @!p0 $0x5  }
0x2a: {  	_ =	swait.ge @!p0 [sflag:s8], $0x200  }
0x2b: {  	[sflag:s8] =	ssyncset.done @!p0 $0x0  }
0x2c: {  	s9 =	rddreg [dreg:$0x6];
	[sflag:s8] =	ssyncadd.s32 @!p0 $0xFFFFFE00  }
0x2d: {  	[spmem:s9] =	stream.linear.scatter @!p0 [tilespmem:s7], [sflag:$0x5], $0x200, $0x38;
	[tilespmem:$0x172C0] =	vst v63  }
0x2e: {  	_ =	swait.ge @!p0 [sflag:s8], $0x200  }
0x2f: {  	[sflag:s8] =	ssyncset.done @!p0 $0x0  }
0x30: {  	[sflag:s8] =	ssyncadd.s32 @!p0 $0xFFFFFE00  }
0x31: {  	[bflag:$0x0] =	sbarrier.arrive $0xFFFF  }
0x32: {  	s12 =	rddreg [dreg:$0x7]  }
0x33: {  	[tilespmem:s3], [sflag:$0x5] =	stream.linear.gather [hbm4b:s12+s3], $0x1900, $0x38;
	[tilespmem:$0x172C0] =	vst v63  }
0x34: {  	_ =	swait.ge [sflag:s20], $0x1900  }
0x35: {  	[sflag:s20] =	ssyncset.done $0x0  }
0x36: {  	s8 =	rddreg [dreg:$0x8];
	[sflag:s20] =	ssyncadd.s32 $0xFFFFE700  }
0x37: {  	[tilespmem:s21], [sflag:$0x5] =	stream.linear.gather [hbm4b:s8+s3], $0x1900, $0x38;
	[tilespmem:$0x172C0] =	vst v63  }
0x38: {  	_ =	swait.ge [sflag:s20], $0x1900  }
0x39: {  	[sflag:s20] =	ssyncset.done $0x0  }
0x3a: {  	s10 =	simm.s32 $0x3200;
	s9 =	rddreg [dreg:$0x9];
	[sflag:s20] =	ssyncadd.s32 $0xFFFFE700  }
0x3b: {  	[tilespmem:s10], [sflag:$0x5] =	stream.linear.gather [hbm4b:s9+s3], $0xC00, $0x38;
	[tilespmem:$0x172C0] =	vst v63  }
0x3c: {  	_ =	swait.ge [sflag:s20], $0xC00  }
0x3d: {  	[sflag:s20] =	ssyncset.done $0x0  }
0x3e: {  	s11 =	simm.s32 $0x3E00;
	[sflag:s20] =	ssyncadd.s32 $0xFFFFF400  }
0x3f: {  	[tilespmem:s11], [sflag:$0x5] =	stream.linear.gather [hbm4b:s14+s3], $0x20, $0x38;
	[tilespmem:$0x172C0] =	vst v63  }
0x40: {  	_ =	swait.ge [sflag:s20], $0x20  }
0x41: {  	[sflag:s20] =	ssyncset.done $0x0  }
0x42: {  	s12 =	rddreg [dreg:$0xa];
	[sflag:s20] =	ssyncadd.s32 $0xFFFFFFE0  }
0x43: {  	[tilespmem:s24], [sflag:$0x5] =	stream.linear.gather [hbm4b:s12+s3], $0x20, $0x38;
	[tilespmem:$0x172C0] =	vst v63  }
0x44: {  	_ =	swait.ge [sflag:s20], $0x20  }
0x45: {  	[sflag:s20] =	ssyncset.done $0x0  }
0x46: {  	[sflag:s20] =	ssyncadd.s32 $0xFFFFFFE0  }
0x47: {  	[tilespmem:s25], [sflag:$0x5] =	stream.linear.gather [hbm4b:s13+s3], $0x20, $0x38;
	[tilespmem:$0x172C0] =	vst v63  }
0x48: {  	_ =	swait.ge [sflag:s20], $0x20  }
0x49: {  	[sflag:s20] =	ssyncset.done $0x0  }
0x4a: {  	[sflag:s20] =	ssyncadd.s32 $0xFFFFFFE0  }
0x4b: {  	v6 =	vld [tilespmem:$0x3E00];
	_ =	sdelay $0x4  }
0x4c: {  	v6 =	vadd.s32 v3, v6  }
0x4d: {  	v7 =	vld [tilespmem:$0x3E10];
	_ =	sdelay $0x3  }
0x4e: {  	v6 =	vld.idx.msk [tilespmem:v6+s21+$0x0], $0xffff  }
0x4f: {  	v7 =	vadd.s32 v4, v7;
	_ =	sdelay $0x3  }
0x50: {  	[tilespmem:$0x3E60] =	vst v6  }
0x51: {  	v6 =	vld.idx.msk [tilespmem:v7+s21+$0x0], $0xffff;
	_ =	sdelay $0x4  }
0x52: {  	[tilespmem:$0x3E70] =	vst v6  }
0x53: {  	[hbm4b:s15+s3] =	stream.linear.scatter [tilespmem:s26], [sflag:$0x5], $0x20, $0x38;
	[tilespmem:$0x172C0] =	vst v63  }
0x54: {  	s7 =	simm.s32 $0x70;
	_ =	swait.ge [sflag:s20], $0x20  }
0x55: {  	s8 =	simm.s32 $0x3240;
	s9 =	simm.s32 $0x4AC0;
	[sflag:s20] =	ssyncset.done $0x0  }
0x56: {  	s10 =	simm.s32 $0x3EC0;
	s11 =	simm.s32 $0x70;
	[sflag:s20] =	ssyncadd.s32 $0xFFFFFFE0  }
.LBB2_4:
0x57: {  	s12 =	sadd.s32 $0xFFFFFF90, s11  }
0x58: {  	v6 =	vor.u32 s12, v0  }
0x59: {  	v7 =	vmul.u32 $0xAAAAAAAB, v6;
	_ =	sdelay $0x1  }
0x5a: {  	v8 =	vshll.u32 v7, $0x1B;
	v7 =	vshrl.u32 v7, $0x5  }
0x5b: {  	v9 =	vmov s12;
	v7 =	vor.u32 v8, v7  }
0x5c: {  	v48 =	vmulhi.u32 $0xAAAAAAAB, v9;
	vm0 =	veq.s32 v9, v0;
	vm1 =	vgt.u32 v7, $0x2AAAAAA  }
0x5d: {  	v7 =	vld [tilespmem:s8+$0xFFFFFFC0];
	vm0 =	vmand vm0, vm1  }
0x5e: {  	v8 =	vshrl.u32 v48, $0x6;
	v49 =	vsel vm0, $0xFFFFFFFF, v5  }
0x5f: {  	v8 =	vadd.s32 v49, v8;
	_ =	sdelay $0x4  }
0x60: {  	v9 =	vld.idx.msk [tilespmem:v8+s26+$0x0], $0xffff  }
0x61: {  	v7 =	vld.idx.msk [tilespmem:v7+s3+$0x0], $0xffff  }
0x62: {  	v10 =	vmul.u32 $0xFFFFFFA0, v8;
	_ =	sdelay $0x1  }
0x63: {  	v6 =	vadd.s32 v6, v10  }
0x64: {  	vm8 =	vlt.s32 v6, v9;
	v6 =	vadd.s32 v1, v8  }
0x65: {  	s12 =	sadd.s32 $0xFFFFFFA0, s11;
	[tilespmem:s10+$0xFFFFFFC0] =	vst v7;
	v6 =	vnsel vm8, $0x200, v6  }
0x66: {  	[tilespmem:s9+$0xFFFFFFC0] =	vst v6;
	v6 =	vmov s12  }
0x67: {  	v6 =	vmulhi.u32 $0xAAAAAAAB, v6;
	v7 =	vld [tilespmem:s8+$0xFFFFFFD0];
	_ =	sdelay $0x1  }
0x68: {  	v6 =	vshrl.u32 v6, $0x6;
	_ =	sdelay $0x4  }
0x69: {  	v50 =	vld.idx.msk [tilespmem:v6+s26+$0x0], $0xffff  }
0x6a: {  	v51 =	vmul.u32 $0xFFFFFFA0, v6;
	v7 =	vld.idx.msk [tilespmem:v7+s3+$0x0], $0xffff;
	_ =	sdelay $0x1  }
0x6b: {  	v9 =	vadd.s32 s12, v51  }
0x6c: {  	v9 =	vadd.s32 v0, v9  }
0x6d: {  	v6 =	vadd.s32 v1, v6;
	vm9 =	vlt.s32 v9, v50  }
0x6e: {  	s12 =	sadd.s32 $0xFFFFFFB0, s11;
	v6 =	vnsel vm9, $0x200, v6;
	[tilespmem:s10+$0xFFFFFFD0] =	vst v7  }
0x6f: {  	[tilespmem:s9+$0xFFFFFFD0] =	vst v6;
	v6 =	vmov s12  }
0x70: {  	v6 =	vmulhi.u32 $0xAAAAAAAB, v6;
	v7 =	vld [tilespmem:s8+$0xFFFFFFE0];
	_ =	sdelay $0x1  }
0x71: {  	v6 =	vshrl.u32 v6, $0x6;
	_ =	sdelay $0x4  }
0x72: {  	v52 =	vld.idx.msk [tilespmem:v6+s26+$0x0], $0xffff  }
0x73: {  	v53 =	vmul.u32 $0xFFFFFFA0, v6;
	v7 =	vld.idx.msk [tilespmem:v7+s3+$0x0], $0xffff;
	_ =	sdelay $0x1  }
0x74: {  	v9 =	vadd.s32 s12, v53  }
0x75: {  	v9 =	vadd.s32 v0, v9  }
0x76: {  	v6 =	vadd.s32 v1, v6;
	vm10 =	vlt.s32 v9, v52  }
0x77: {  	s12 =	sadd.s32 $0xFFFFFFC0, s11;
	v6 =	vnsel vm10, $0x200, v6;
	[tilespmem:s10+$0xFFFFFFE0] =	vst v7  }
0x78: {  	[tilespmem:s9+$0xFFFFFFE0] =	vst v6;
	v6 =	vmov s12  }
0x79: {  	v6 =	vmulhi.u32 $0xAAAAAAAB, v6;
	v7 =	vld [tilespmem:s8+$0xFFFFFFF0];
	_ =	sdelay $0x1  }
0x7a: {  	v6 =	vshrl.u32 v6, $0x6;
	_ =	sdelay $0x4  }
0x7b: {  	v54 =	vld.idx.msk [tilespmem:v6+s26+$0x0], $0xffff  }
0x7c: {  	v55 =	vmul.u32 $0xFFFFFFA0, v6;
	v7 =	vld.idx.msk [tilespmem:v7+s3+$0x0], $0xffff;
	_ =	sdelay $0x1  }
0x7d: {  	v9 =	vadd.s32 s12, v55  }
0x7e: {  	v9 =	vadd.s32 v0, v9  }
0x7f: {  	v6 =	vadd.s32 v1, v6;
	vm11 =	vlt.s32 v9, v54  }
0x80: {  	s12 =	sadd.s32 $0xFFFFFFD0, s11;
	v6 =	vnsel vm11, $0x200, v6;
	[tilespmem:s10+$0xFFFFFFF0] =	vst v7  }
0x81: {  	[tilespmem:s9+$0xFFFFFFF0] =	vst v6;
	v6 =	vmov s12  }
0x82: {  	v6 =	vmulhi.u32 $0xAAAAAAAB, v6;
	v7 =	vld [tilespmem:s8+$0x0];
	_ =	sdelay $0x1  }
0x83: {  	v6 =	vshrl.u32 v6, $0x6;
	_ =	sdelay $0x4  }
0x84: {  	v56 =	vld.idx.msk [tilespmem:v6+s26+$0x0], $0xffff  }
0x85: {  	v57 =	vmul.u32 $0xFFFFFFA0, v6;
	v7 =	vld.idx.msk [tilespmem:v7+s3+$0x0], $0xffff;
	_ =	sdelay $0x1  }
0x86: {  	v9 =	vadd.s32 s12, v57  }
0x87: {  	v9 =	vadd.s32 v0, v9  }
0x88: {  	v6 =	vadd.s32 v1, v6;
	vm12 =	vlt.s32 v9, v56  }
0x89: {  	s12 =	sadd.s32 $0xFFFFFFE0, s11;
	v6 =	vnsel vm12, $0x200, v6;
	[tilespmem:s10+$0x0] =	vst v7  }
0x8a: {  	[tilespmem:s9+$0x0] =	vst v6;
	v6 =	vmov s12  }
0x8b: {  	v6 =	vmulhi.u32 $0xAAAAAAAB, v6;
	v7 =	vld [tilespmem:s8+$0x10];
	_ =	sdelay $0x1  }
0x8c: {  	v6 =	vshrl.u32 v6, $0x6;
	_ =	sdelay $0x4  }
0x8d: {  	v58 =	vld.idx.msk [tilespmem:v6+s26+$0x0], $0xffff  }
0x8e: {  	v59 =	vmul.u32 $0xFFFFFFA0, v6;
	v7 =	vld.idx.msk [tilespmem:v7+s3+$0x0], $0xffff;
	_ =	sdelay $0x1  }
0x8f: {  	v9 =	vadd.s32 s12, v59  }
0x90: {  	v9 =	vadd.s32 v0, v9  }
0x91: {  	v6 =	vadd.s32 v1, v6;
	vm13 =	vlt.s32 v9, v58  }
0x92: {  	s12 =	sadd.s32 $0xFFFFFFF0, s11;
	v6 =	vnsel vm13, $0x200, v6;
	[tilespmem:s10+$0x10] =	vst v7  }
0x93: {  	[tilespmem:s9+$0x10] =	vst v6;
	v6 =	vmov s12  }
0x94: {  	v6 =	vmulhi.u32 $0xAAAAAAAB, v6;
	v7 =	vld [tilespmem:s8+$0x20];
	_ =	sdelay $0x1  }
0x95: {  	v6 =	vshrl.u32 v6, $0x6;
	_ =	sdelay $0x4  }
0x96: {  	v60 =	vld.idx.msk [tilespmem:v6+s26+$0x0], $0xffff  }
0x97: {  	v61 =	vmul.u32 $0xFFFFFFA0, v6;
	v7 =	vld.idx.msk [tilespmem:v7+s3+$0x0], $0xffff;
	_ =	sdelay $0x1  }
0x98: {  	v9 =	vadd.s32 s12, v61  }
0x99: {  	v9 =	vadd.s32 v0, v9  }
0x9a: {  	v6 =	vadd.s32 v1, v6;
	vm14 =	vlt.s32 v9, v60  }
0x9b: {  	v6 =	vnsel vm14, $0x200, v6;
	[tilespmem:s10+$0x20] =	vst v7  }
0x9c: {  	[tilespmem:s9+$0x20] =	vst v6;
	v6 =	vmov s11  }
0x9d: {  	v6 =	vmulhi.u32 $0xAAAAAAAB, v6;
	v7 =	vld [tilespmem:s8+$0x30];
	_ =	sdelay $0x1  }
0x9e: {  	v6 =	vshrl.u32 v6, $0x6;
	_ =	sdelay $0x4  }
0x9f: {  	v62 =	vld.idx.msk [tilespmem:v6+s26+$0x0], $0xffff  }
0xa0: {  	v63 =	vmul.u32 $0xFFFFFFA0, v6;
	v7 =	vld.idx.msk [tilespmem:v7+s3+$0x0], $0xffff  }
0xa1: {  	p1 =	sne.s32 s11, $0xBF0  }
.Ltmp1:
0xa2: {  	v9 =	vadd.s32 s11, v63;
	(pc) =	sbr.rel @p1 .LBB2_4-.Ltmp1, $4  }
0xa3: {  	v9 =	vadd.s32 v0, v9  }
0xa4: {  	v6 =	vadd.s32 v1, v6;
	vm15 =	vlt.s32 v9, v62  }
0xa5: {  	s8 =	sadd.s32 $0x80, s8;
	v6 =	vnsel vm15, $0x200, v6;
	[tilespmem:s10+$0x30] =	vst v7  }
0xa6: {  	s11 =	sadd.s32 $0x80, s11;
	s10 =	sadd.s32 $0x80, s10;
	[tilespmem:s9+$0x30] =	vst v6;
	s9 =	sadd.s32 $0x80, s9  }
0xa7: {  	s8 =	simm.s32 $0x5CC0;
	s9 =	simm.s32 $0x56C0  }
.LBB2_6:
0xa8: {  	s10 =	sadd.s32 $0xFFFFFF90, s7  }
0xa9: {  	v6 =	vor.u32 s10, v0  }
0xaa: {  	v7 =	vmul.u32 $0xAAAAAAAB, v6;
	_ =	sdelay $0x1  }
0xab: {  	v8 =	vshll.u32 v7, $0x1C;
	v7 =	vshrl.u32 v7, $0x4  }
0xac: {  	v9 =	vmov s10;
	v7 =	vor.u32 v8, v7  }
0xad: {  	v39 =	vmulhi.u32 $0xAAAAAAAB, v9;
	vm0 =	veq.s32 v9, v0;
	vm1 =	vgt.u32 v7, $0x5555555  }
0xae: {  	vm0 =	vmand vm0, vm1  }
0xaf: {  	v7 =	vshrl.u32 v39, $0x5;
	v40 =	vsel vm0, $0xFFFFFFFF, v5  }
0xb0: {  	v7 =	vadd.s32 v40, v7;
	_ =	sdelay $0x4  }
0xb1: {  	v8 =	vld.idx.msk [tilespmem:v7+s24+$0x0], $0xffff;
	_ =	sdelay $0x1  }
0xb2: {  	v41 =	vmul.u32 $0xFFFFFFD0, v7;
	_ =	sdelay $0x1  }
0xb3: {  	v6 =	vadd.s32 v6, v41  }
0xb4: {  	v8 =	vadd.s32 v6, v8  }
0xb5: {  	v42 =	vmul.u32 $0xC8, v7;
	vm12 =	vlt.s32 v8, $0xC7  }
0xb6: {  	v8 =	vnsel vm12, $0xC7, v8  }
0xb7: {  	v8 =	vadd.s32 v42, v8;
	_ =	sdelay $0x2  }
0xb8: {  	s11 =	sadd.s32 $0xFFFFFFA0, s7  }
0xb9: {  	v10 =	vmov s11;
	v43 =	vld.idx.msk [tilespmem:v7+s25+$0x0], $0xffff  }
0xba: {  	v10 =	vmulhi.u32 $0xAAAAAAAB, v10;
	v8 =	vld.idx.msk [tilespmem:v8+s3+$0x0], $0xffff;
	_ =	sdelay $0x1  }
0xbb: {  	v10 =	vshrl.u32 v10, $0x5;
	_ =	sdelay $0x1  }
0xbc: {  	vm13 =	vlt.s32 v6, v43;
	v6 =	vadd.s32 v1, v7  }
0xbd: {  	v6 =	vnsel vm13, $0x200, v6;
	[tilespmem:s9+$0xFFFFFFC0] =	vst v8  }
0xbe: {  	[tilespmem:s8+$0xFFFFFFC0] =	vst v6  }
0xbf: {  	v6 =	vld.idx.msk [tilespmem:v10+s24+$0x0], $0xffff  }
0xc0: {  	v7 =	vmul.u32 $0xFFFFFFD0, v10;
	_ =	sdelay $0x1  }
0xc1: {  	v7 =	vadd.s32 s11, v7  }
0xc2: {  	v7 =	vadd.s32 v0, v7  }
0xc3: {  	v6 =	vadd.s32 v7, v6  }
0xc4: {  	v44 =	vmul.u32 $0xC8, v10;
	vm14 =	vlt.s32 v6, $0xC7  }
0xc5: {  	v6 =	vnsel vm14, $0xC7, v6  }
0xc6: {  	v6 =	vadd.s32 v44, v6;
	_ =	sdelay $0x2  }
0xc7: {  	s12 =	sadd.s32 $0xFFFFFFB0, s7  }
0xc8: {  	v46 =	vmov s12;
	v45 =	vld.idx.msk [tilespmem:v10+s25+$0x0], $0xffff  }
0xc9: {  	v9 =	vmulhi.u32 $0xAAAAAAAB, v46;
	v6 =	vld.idx.msk [tilespmem:v6+s3+$0x0], $0xffff;
	_ =	sdelay $0x1  }
0xca: {  	v9 =	vshrl.u32 v9, $0x5;
	_ =	sdelay $0x1  }
0xcb: {  	vm15 =	vlt.s32 v7, v45;
	v7 =	vadd.s32 v1, v10  }
0xcc: {  	v7 =	vnsel vm15, $0x200, v7;
	[tilespmem:s9+$0xFFFFFFD0] =	vst v6  }
0xcd: {  	[tilespmem:s8+$0xFFFFFFD0] =	vst v7  }
0xce: {  	v6 =	vld.idx.msk [tilespmem:v9+s24+$0x0], $0xffff  }
0xcf: {  	v7 =	vmul.u32 $0xFFFFFFD0, v9;
	_ =	sdelay $0x1  }
0xd0: {  	v7 =	vadd.s32 s12, v7  }
0xd1: {  	v7 =	vadd.s32 v0, v7  }
0xd2: {  	v6 =	vadd.s32 v7, v6  }
0xd3: {  	v47 =	vmul.u32 $0xC8, v9;
	vm4 =	vlt.s32 v6, $0xC7  }
0xd4: {  	v6 =	vnsel vm4, $0xC7, v6  }
0xd5: {  	v6 =	vadd.s32 v47, v6;
	_ =	sdelay $0x2  }
0xd6: {  	s11 =	sadd.s32 $0xFFFFFFC0, s7  }
0xd7: {  	v49 =	vmov s11;
	v48 =	vld.idx.msk [tilespmem:v9+s25+$0x0], $0xffff  }
0xd8: {  	v10 =	vmulhi.u32 $0xAAAAAAAB, v49;
	v6 =	vld.idx.msk [tilespmem:v6+s3+$0x0], $0xffff;
	_ =	sdelay $0x1  }
0xd9: {  	v10 =	vshrl.u32 v10, $0x5;
	_ =	sdelay $0x1  }
0xda: {  	vm5 =	vlt.s32 v7, v48;
	v7 =	vadd.s32 v1, v9  }
0xdb: {  	v7 =	vnsel vm5, $0x200, v7;
	[tilespmem:s9+$0xFFFFFFE0] =	vst v6  }
0xdc: {  	[tilespmem:s8+$0xFFFFFFE0] =	vst v7  }
0xdd: {  	v6 =	vld.idx.msk [tilespmem:v10+s24+$0x0], $0xffff  }
0xde: {  	v7 =	vmul.u32 $0xFFFFFFD0, v10;
	_ =	sdelay $0x1  }
0xdf: {  	v7 =	vadd.s32 s11, v7  }
0xe0: {  	v7 =	vadd.s32 v0, v7  }
0xe1: {  	v6 =	vadd.s32 v7, v6  }
0xe2: {  	v50 =	vmul.u32 $0xC8, v10;
	vm6 =	vlt.s32 v6, $0xC7  }
0xe3: {  	v6 =	vnsel vm6, $0xC7, v6  }
0xe4: {  	v6 =	vadd.s32 v50, v6;
	_ =	sdelay $0x2  }
0xe5: {  	s12 =	sadd.s32 $0xFFFFFFD0, s7  }
0xe6: {  	v52 =	vmov s12;
	v51 =	vld.idx.msk [tilespmem:v10+s25+$0x0], $0xffff  }
0xe7: {  	v9 =	vmulhi.u32 $0xAAAAAAAB, v52;
	v6 =	vld.idx.msk [tilespmem:v6+s3+$0x0], $0xffff;
	_ =	sdelay $0x1  }
0xe8: {  	v9 =	vshrl.u32 v9, $0x5;
	_ =	sdelay $0x1  }
0xe9: {  	vm7 =	vlt.s32 v7, v51;
	v7 =	vadd.s32 v1, v10  }
0xea: {  	v7 =	vnsel vm7, $0x200, v7;
	[tilespmem:s9+$0xFFFFFFF0] =	vst v6  }
0xeb: {  	[tilespmem:s8+$0xFFFFFFF0] =	vst v7  }
0xec: {  	v6 =	vld.idx.msk [tilespmem:v9+s24+$0x0], $0xffff  }
0xed: {  	v7 =	vmul.u32 $0xFFFFFFD0, v9;
	_ =	sdelay $0x1  }
0xee: {  	v7 =	vadd.s32 s12, v7  }
0xef: {  	v7 =	vadd.s32 v0, v7  }
0xf0: {  	v6 =	vadd.s32 v7, v6  }
0xf1: {  	v53 =	vmul.u32 $0xC8, v9;
	vm8 =	vlt.s32 v6, $0xC7  }
0xf2: {  	v6 =	vnsel vm8, $0xC7, v6  }
0xf3: {  	v6 =	vadd.s32 v53, v6;
	_ =	sdelay $0x2  }
0xf4: {  	s11 =	sadd.s32 $0xFFFFFFE0, s7  }
0xf5: {  	v55 =	vmov s11;
	v54 =	vld.idx.msk [tilespmem:v9+s25+$0x0], $0xffff  }
0xf6: {  	v10 =	vmulhi.u32 $0xAAAAAAAB, v55;
	v6 =	vld.idx.msk [tilespmem:v6+s3+$0x0], $0xffff;
	_ =	sdelay $0x1  }
0xf7: {  	v10 =	vshrl.u32 v10, $0x5;
	_ =	sdelay $0x1  }
0xf8: {  	vm9 =	vlt.s32 v7, v54;
	v7 =	vadd.s32 v1, v9  }
0xf9: {  	v7 =	vnsel vm9, $0x200, v7;
	[tilespmem:s9+$0x0] =	vst v6  }
0xfa: {  	[tilespmem:s8+$0x0] =	vst v7  }
0xfb: {  	v6 =	vld.idx.msk [tilespmem:v10+s24+$0x0], $0xffff  }
0xfc: {  	v7 =	vmul.u32 $0xFFFFFFD0, v10;
	_ =	sdelay $0x1  }
0xfd: {  	v7 =	vadd.s32 s11, v7  }
0xfe: {  	v7 =	vadd.s32 v0, v7  }
0xff: {  	v6 =	vadd.s32 v7, v6  }
0x100: {  	v56 =	vmul.u32 $0xC8, v10;
	vm10 =	vlt.s32 v6, $0xC7  }
0x101: {  	v6 =	vnsel vm10, $0xC7, v6  }
0x102: {  	v6 =	vadd.s32 v56, v6;
	_ =	sdelay $0x2  }
0x103: {  	s12 =	sadd.s32 $0xFFFFFFF0, s7  }
0x104: {  	v58 =	vmov s12;
	v57 =	vld.idx.msk [tilespmem:v10+s25+$0x0], $0xffff  }
0x105: {  	v9 =	vmulhi.u32 $0xAAAAAAAB, v58;
	v6 =	vld.idx.msk [tilespmem:v6+s3+$0x0], $0xffff;
	_ =	sdelay $0x1  }
0x106: {  	v9 =	vshrl.u32 v9, $0x5;
	_ =	sdelay $0x1  }
0x107: {  	vm11 =	vlt.s32 v7, v57;
	v7 =	vadd.s32 v1, v10  }
0x108: {  	v7 =	vnsel vm11, $0x200, v7;
	[tilespmem:s9+$0x10] =	vst v6  }
0x109: {  	[tilespmem:s8+$0x10] =	vst v7  }
0x10a: {  	v6 =	vld.idx.msk [tilespmem:v9+s24+$0x0], $0xffff  }
0x10b: {  	v7 =	vmul.u32 $0xFFFFFFD0, v9;
	_ =	sdelay $0x1  }
0x10c: {  	v7 =	vadd.s32 s12, v7  }
0x10d: {  	v7 =	vadd.s32 v0, v7  }
0x10e: {  	v6 =	vadd.s32 v7, v6  }
0x10f: {  	v59 =	vmul.u32 $0xC8, v9;
	vm12 =	vlt.s32 v6, $0xC7  }
0x110: {  	v6 =	vnsel vm12, $0xC7, v6  }
0x111: {  	v6 =	vadd.s32 v59, v6;
	_ =	sdelay $0x3  }
0x112: {  	v61 =	vmov s7;
	v60 =	vld.idx.msk [tilespmem:v9+s25+$0x0], $0xffff  }
0x113: {  	v10 =	vmulhi.u32 $0xAAAAAAAB, v61;
	v6 =	vld.idx.msk [tilespmem:v6+s3+$0x0], $0xffff;
	_ =	sdelay $0x1  }
0x114: {  	v10 =	vshrl.u32 v10, $0x5;
	_ =	sdelay $0x1  }
0x115: {  	vm13 =	vlt.s32 v7, v60;
	v7 =	vadd.s32 v1, v9  }
0x116: {  	v7 =	vnsel vm13, $0x200, v7;
	[tilespmem:s9+$0x20] =	vst v6  }
0x117: {  	[tilespmem:s8+$0x20] =	vst v7  }
0x118: {  	v6 =	vld.idx.msk [tilespmem:v10+s24+$0x0], $0xffff  }
0x119: {  	v7 =	vmul.u32 $0xFFFFFFD0, v10;
	_ =	sdelay $0x1  }
0x11a: {  	v7 =	vadd.s32 s7, v7  }
0x11b: {  	v7 =	vadd.s32 v0, v7  }
0x11c: {  	v6 =	vadd.s32 v7, v6  }
0x11d: {  	v62 =	vmul.u32 $0xC8, v10;
	vm14 =	vlt.s32 v6, $0xC7  }
0x11e: {  	v6 =	vnsel vm14, $0xC7, v6  }
0x11f: {  	v6 =	vadd.s32 v62, v6;
	_ =	sdelay $0x3  }
0x120: {  	v63 =	vld.idx.msk [tilespmem:v10+s25+$0x0], $0xffff  }
0x121: {  	v6 =	vld.idx.msk [tilespmem:v6+s3+$0x0], $0xffff  }
0x122: {  	p1 =	sne.s32 s7, $0x5F0  }
.Ltmp2:
0x123: {  	_ = 	snop;
	(pc) =	sbr.rel @p1 .LBB2_6-.Ltmp2, $4  }
0x124: {  	_ = 	snop  }
0x125: {  	vm15 =	vlt.s32 v7, v63;
	v7 =	vadd.s32 v1, v10  }
0x126: {  	v7 =	vnsel vm15, $0x200, v7;
	[tilespmem:s9+$0x30] =	vst v6  }
0x127: {  	s7 =	sadd.s32 $0x80, s7;
	s9 =	sadd.s32 $0x80, s9;
	[tilespmem:s8+$0x30] =	vst v7;
	s8 =	sadd.s32 $0x80, s8  }
0x128: {  	s7 =	simm.s32 $0x3E80  }
0x129: {  	[tilespmem:s19], [sflag:$0x1] =	stream.indirect.gather [hbm4b:s4+s28], $0x40, s7, s28, $0xb8;
	[tilespmem:$0x172C0] =	vst v63  }
0x12a: {  	s11 =	simm.s32 $0x4080  }
0x12b: {  	[tilespmem:s31], [sflag:$0x2] =	stream.indirect.gather [hbm4b:s4+s28], $0x40, s11, s28, $0xb8;
	[tilespmem:$0x172C0] =	vst v63  }
0x12c: {  	_ =	swait.ge [sflag:s0], $0x8000  }
0x12d: {  	[sflag:s0] =	ssyncset.done $0x0  }
0x12e: {  	s12 =	simm.s32 $0x4A80;
	[sflag:s0] =	ssyncadd.s32 $0xFFFF8000  }
0x12f: {  	[spmem:s1] =	stream.indirect.scatter.add.f32 [tilespmem:s19], [sflag:$0x3], $0x40, s12, s28, $0xb8;
	[tilespmem:$0x172C0] =	vst v63  }
0x130: {  	_ =	swait.ge [sflag:s23], $0x8000  }
0x131: {  	[sflag:s23] =	ssyncset.done $0x0  }
0x132: {  	s8 =	simm.s32 $0x4280;
	[sflag:s23] =	ssyncadd.s32 $0xFFFF8000  }
0x133: {  	[tilespmem:s19], [sflag:$0x1] =	stream.indirect.gather [hbm4b:s4+s28], $0x40, s8, s28, $0xb8;
	[tilespmem:$0x172C0] =	vst v63  }
0x134: {  	_ =	swait.ge [sflag:s30], $0x8000  }
0x135: {  	[sflag:s30] =	ssyncset.done $0x0  }
0x136: {  	s9 =	simm.s32 $0x4C80;
	[sflag:s30] =	ssyncadd.s32 $0xFFFF8000  }
0x137: {  	[spmem:s1] =	stream.indirect.scatter.add.f32 [tilespmem:s31], [sflag:$0x4], $0x40, s9, s28, $0xb8;
	[tilespmem:$0x172C0] =	vst v63  }
0x138: {  	_ =	swait.ge [sflag:s29], $0x8000  }
0x139: {  	[sflag:s29] =	ssyncset.done $0x0  }
0x13a: {  	s10 =	simm.s32 $0x4480;
	[sflag:s29] =	ssyncadd.s32 $0xFFFF8000  }
0x13b: {  	[tilespmem:s31], [sflag:$0x2] =	stream.indirect.gather [hbm4b:s4+s28], $0x40, s10, s28, $0xb8;
	[tilespmem:$0x172C0] =	vst v63  }
0x13c: {  	_ =	swait.ge [sflag:s0], $0x8000  }
0x13d: {  	[sflag:s0] =	ssyncset.done $0x0  }
0x13e: {  	s11 =	simm.s32 $0x4E80;
	[sflag:s0] =	ssyncadd.s32 $0xFFFF8000  }
0x13f: {  	[spmem:s1] =	stream.indirect.scatter.add.f32 [tilespmem:s19], [sflag:$0x3], $0x40, s11, s28, $0xb8;
	[tilespmem:$0x172C0] =	vst v63  }
0x140: {  	_ =	swait.ge [sflag:s23], $0x8000  }
0x141: {  	[sflag:s23] =	ssyncset.done $0x0  }
0x142: {  	s12 =	simm.s32 $0x4680;
	[sflag:s23] =	ssyncadd.s32 $0xFFFF8000  }
0x143: {  	[tilespmem:s19], [sflag:$0x1] =	stream.indirect.gather [hbm4b:s4+s28], $0x40, s12, s28, $0xb8;
	[tilespmem:$0x172C0] =	vst v63  }
0x144: {  	_ =	swait.ge [sflag:s30], $0x8000  }
0x145: {  	[sflag:s30] =	ssyncset.done $0x0  }
0x146: {  	s8 =	simm.s32 $0x5080;
	[sflag:s30] =	ssyncadd.s32 $0xFFFF8000  }
0x147: {  	[spmem:s1] =	stream.indirect.scatter.add.f32 [tilespmem:s31], [sflag:$0x4], $0x40, s8, s28, $0xb8;
	[tilespmem:$0x172C0] =	vst v63  }
0x148: {  	_ =	swait.ge [sflag:s29], $0x8000  }
0x149: {  	[sflag:s29] =	ssyncset.done $0x0  }
0x14a: {  	s9 =	simm.s32 $0x4880;
	[sflag:s29] =	ssyncadd.s32 $0xFFFF8000  }
0x14b: {  	[tilespmem:s31], [sflag:$0x2] =	stream.indirect.gather [hbm4b:s4+s28], $0x40, s9, s28, $0xb8;
	[tilespmem:$0x172C0] =	vst v63  }
0x14c: {  	_ =	swait.ge [sflag:s0], $0x8000  }
0x14d: {  	[sflag:s0] =	ssyncset.done $0x0  }
0x14e: {  	s10 =	simm.s32 $0x5280;
	[sflag:s0] =	ssyncadd.s32 $0xFFFF8000  }
0x14f: {  	[spmem:s1] =	stream.indirect.scatter.add.f32 [tilespmem:s19], [sflag:$0x3], $0x40, s10, s28, $0xb8;
	[tilespmem:$0x172C0] =	vst v63  }
0x150: {  	_ =	swait.ge [sflag:s23], $0x8000  }
0x151: {  	[sflag:s23] =	ssyncset.done $0x0  }
0x152: {  	s11 =	simm.s32 $0x5680;
	[sflag:s23] =	ssyncadd.s32 $0xFFFF8000  }
0x153: {  	[tilespmem:s19], [sflag:$0x1] =	stream.indirect.gather [hbm4b:s4+s28], $0x40, s11, s28, $0xb8;
	[tilespmem:$0x172C0] =	vst v63  }
0x154: {  	_ =	swait.ge [sflag:s30], $0x8000  }
0x155: {  	[sflag:s30] =	ssyncset.done $0x0  }
0x156: {  	s12 =	simm.s32 $0x5480;
	[sflag:s30] =	ssyncadd.s32 $0xFFFF8000  }
0x157: {  	[spmem:s1] =	stream.indirect.scatter.add.f32 [tilespmem:s31], [sflag:$0x4], $0x40, s12, s28, $0xb8;
	[tilespmem:$0x172C0] =	vst v63  }
0x158: {  	_ =	swait.ge [sflag:s29], $0x8000  }
0x159: {  	[sflag:s29] =	ssyncset.done $0x0  }
0x15a: {  	s8 =	simm.s32 $0x5880;
	[sflag:s29] =	ssyncadd.s32 $0xFFFF8000  }
0x15b: {  	[tilespmem:s31], [sflag:$0x2] =	stream.indirect.gather [hbm4b:s4+s28], $0x40, s8, s28, $0xb8;
	[tilespmem:$0x172C0] =	vst v63  }
0x15c: {  	_ =	swait.ge [sflag:s0], $0x8000  }
0x15d: {  	[sflag:s0] =	ssyncset.done $0x0  }
0x15e: {  	s9 =	simm.s32 $0x5C80;
	[sflag:s0] =	ssyncadd.s32 $0xFFFF8000  }
0x15f: {  	[spmem:s2] =	stream.indirect.scatter.add.f32 [tilespmem:s19], [sflag:$0x3], $0x40, s9, s28, $0xb8;
	[tilespmem:$0x172C0] =	vst v63  }
0x160: {  	_ =	swait.ge [sflag:s23], $0x8000  }
0x161: {  	[sflag:s23] =	ssyncset.done $0x0  }
0x162: {  	s10 =	simm.s32 $0x5A80;
	[sflag:s23] =	ssyncadd.s32 $0xFFFF8000  }
0x163: {  	[tilespmem:s19], [sflag:$0x1] =	stream.indirect.gather [hbm4b:s4+s28], $0x40, s10, s28, $0xb8;
	[tilespmem:$0x172C0] =	vst v63  }
0x164: {  	_ =	swait.ge [sflag:s30], $0x8000  }
0x165: {  	[sflag:s30] =	ssyncset.done $0x0  }
0x166: {  	s11 =	simm.s32 $0x5E80;
	[sflag:s30] =	ssyncadd.s32 $0xFFFF8000  }
0x167: {  	[spmem:s2] =	stream.indirect.scatter.add.f32 [tilespmem:s31], [sflag:$0x4], $0x40, s11, s28, $0xb8;
	[tilespmem:$0x172C0] =	vst v63  }
0x168: {  	_ =	swait.ge [sflag:s0], $0x8000  }
0x169: {  	[sflag:s0] =	ssyncset.done $0x0  }
0x16a: {  	s12 =	simm.s32 $0x6080;
	[sflag:s0] =	ssyncadd.s32 $0xFFFF8000  }
0x16b: {  	[spmem:s2] =	stream.indirect.scatter.add.f32 [tilespmem:s19], [sflag:$0x3], $0x40, s12, s28, $0xb8;
	[tilespmem:$0x172C0] =	vst v63  }
0x16c: {  	_ =	swait.ge [sflag:s23], $0x8000  }
0x16d: {  	[sflag:s23] =	ssyncset.done $0x0  }
0x16e: {  	[sflag:s23] =	ssyncadd.s32 $0xFFFF8000  }
0x16f: {  	_ =	swait.ge [sflag:s29], $0x8000  }
0x170: {  	[sflag:s29] =	ssyncset.done $0x0  }
0x171: {  	[sflag:s29] =	ssyncadd.s32 $0xFFFF8000  }
0x172: {  	[bflag:$0x0] =	sbarrier.arrive $0xFFFF  }
0x173: {  	[tilespmem:s19], [sflag:$0x5] =	stream.linear.gather [spmem:s5], $0x800, $0x38;
	[tilespmem:$0x172C0] =	vst v63  }
0x174: {  	_ =	swait.ge [sflag:s20], $0x800  }
0x175: {  	[sflag:s20] =	ssyncset.done $0x0  }
0x176: {  	[sflag:s20] =	ssyncadd.s32 $0xFFFFF800  }
0x177: {  	[tilespmem:s31], [sflag:$0x5] =	stream.linear.gather [spmem:s6], $0x800, $0x38;
	[tilespmem:$0x172C0] =	vst v63  }
0x178: {  	_ =	swait.ge [sflag:s20], $0x800  }
0x179: {  	[sflag:s20] =	ssyncset.done $0x0  }
0x17a: {  	[sflag:s20] =	ssyncadd.s32 $0xFFFFF800  }
0x17b: {  	[hbm4b:s16+s3] =	stream.linear.scatter [tilespmem:s19], [sflag:$0x5], $0x800, $0x38;
	[tilespmem:$0x172C0] =	vst v63  }
0x17c: {  	s22 =	sadd.s32 $0x1, s22;
	_ =	swait.ge [sflag:s20], $0x800  }
0x17d: {  	p1 =	sne.s32 s22, s18;
	[sflag:s20] =	ssyncset.done $0x0  }
.Ltmp3:
0x17e: {  	[sflag:s20] =	ssyncadd.s32 $0xFFFFF800;
	(pc) =	sbr.rel @p1 .LBB2_1-.Ltmp3, $4  }
0x17f: {  	[hbm4b:s17+s3] =	stream.linear.scatter [tilespmem:s31], [sflag:$0x5], $0x800, $0x38;
	[tilespmem:$0x172C0] =	vst v63  }
0x180: {  	_ =	swait.ge [sflag:s20], $0x800  }
0x181: {  	[sflag:s20] =	ssyncset.done $0x0  }
0x182: {  	[sflag:s20] =	ssyncadd.s32 $0xFFFFF800  }
0x183: {  	_ =	sfence.sel $0x180000  }
0x184: {  	[bflag:$0x0] =	sbarrier.arrive $0xFFFF  }
0x185: {  	_ =	strace $0x90000047  }
0x186: {  	[bflag:$0x2] =	sbarrier.arrive $0xFFFF  }
0x187: {  	s0 =	rddreg [dreg:$0x4]  }
0x188: {  	s0 =	sadd.s32 @!p0 $0x100000, s0  }
0x189: {  	[sflag:s0] =	ssyncadd.tile.s32 @!p0 $0x1;
	_ =	shalt  }
.Lfunc_end2:
_tile_overlayer_lowered:
.L_overlay_start_2:
0x18a: {  	(tag) =	ssettag $0x2  }
0x18b: {  	s0 =	rddreg [dreg:$0x0];
	s2 =	stileid.u32  }
0x18c: {  	s1 =	rddreg [dreg:$0x1];
	p0 =	sne.s32 s2, $0x0  }
0x18d: {  	s3 =	rddreg [dreg:$0x2];
	[bflag:$0x3] =	sbarrier.arrive $0xFFFF;
	s2 =	simm.s32 @!p0 $0x1C05  }
0x18e: {  	[timem:s3], [sflag:s2] =	dma.local @!p0 [hbm:s0], s1  }
0x18f: {  	s0 =	simm.s32 @!p0 $0x5  }
0x190: {  	_ =	swait.ge @!p0 [sflag:s0], s1  }
0x191: {  	s1 =	ssub.s32 @!p0 $0x0, s1;
	[sflag:s0] =	ssyncset.done @!p0 $0x0  }
0x192: {  	[sflag:s0] =	ssyncadd.s32 @!p0 s1  }
0x193: {  	[bflag:$0x3] =	sbarrier.arrive $0xFFFF  }
0x194: {  	_ =	shalt  }

</sc_bundles>
